<compile_context>
chip_gen: v7x
topology: tpu7x:2x2x1
jax: 0.10.2.dev20260603
libtpu: 0.0.44.dev20260713+nightly
codegen_flags: <defaults>
</compile_context>

<pallas_src>
import functools

import numpy as np

import jax
import jax.numpy as jnp
from jax import lax
from jax.experimental import pallas as pl
from jax.experimental.pallas import tpu as pltpu
from jax.experimental.pallas import tpu_sc as plsc

N = 10000
D = 128
NC = 2
NS = 16
NW = NC * NS
CH = 128
N_PAD = 10240
TILE_ROWS = N_PAD // NS
KA_FRAC_NUM, KA_FRAC_DEN = 68, 100


def _sc_aggregate(h, src3, dst3, zeros2, ka, kb, with_deg):
    kmax = max(ka, kb)
    mesh = plsc.VectorSubcoreMesh(core_axis_name="c", subcore_axis_name="s")
    out_type = [jax.ShapeDtypeStruct((NC, N_PAD, D), jnp.float32)]
    scratch = [
        pltpu.VMEM((kmax, CH), jnp.int32),
        pltpu.VMEM((kmax, CH), jnp.int32),
        pltpu.VMEM((CH, D), jnp.float32),
        pltpu.VMEM_SHARED((N_PAD, D), jnp.float32),
        pltpu.SemaphoreType.DMA,
    ]
    if with_deg:
        out_type.append(jax.ShapeDtypeStruct((NC, N_PAD), jnp.float32))
        scratch += [
            pltpu.VMEM((CH,), jnp.float32),
            pltpu.VMEM((TILE_ROWS,), jnp.float32),
            pltpu.VMEM_SHARED((N_PAD,), jnp.float32),
        ]

    @functools.partial(pl.kernel, out_type=tuple(out_type), mesh=mesh,
                       scratch_types=scratch)
    def body(h_hbm, src_hbm, dst_hbm, z_hbm, p_hbm, *rest):
        if with_deg:
            deg_hbm, idx_s, idx_d, rows_v, acc_sh, sem, \
                ones_v, degz_v, deg_sh = rest
        else:
            idx_s, idx_d, rows_v, acc_sh, sem = rest
        c = lax.axis_index("c")
        s = lax.axis_index("s")
        wid = c * NS + s
        base = s * TILE_ROWS

        if with_deg:
            for i in range(CH // 16):
                ones_v[pl.ds(i * 16, 16)] = jnp.ones((16,), jnp.float32)
            for i in range(TILE_ROWS // 16):
                degz_v[pl.ds(i * 16, 16)] = jnp.zeros((16,), jnp.float32)
            pltpu.sync_copy(degz_v, deg_sh.at[pl.ds(base, TILE_ROWS)])

        pltpu.sync_copy(z_hbm.at[pl.ds(base, TILE_ROWS)],
                        acc_sh.at[pl.ds(base, TILE_ROWS)])

        pltpu.sync_copy(src_hbm.at[wid], idx_s)
        pltpu.sync_copy(dst_hbm.at[wid], idx_d)

        plsc.subcore_barrier()

        def chunk(j, carry):
            pltpu.async_copy(h_hbm.at[idx_s.at[j]], rows_v, sem).wait()
            pltpu.sync_copy(rows_v, acc_sh.at[idx_d.at[j]], add=True)
            if with_deg:
                pltpu.sync_copy(ones_v, deg_sh.at[idx_d.at[j]], add=True)
            return carry

        @pl.when(c == 0)
        def _():
            lax.fori_loop(0, ka, chunk, 0)

        @pl.when(c == 1)
        def _():
            lax.fori_loop(0, kb, chunk, 0)

        plsc.subcore_barrier()

        pltpu.sync_copy(acc_sh.at[pl.ds(base, TILE_ROWS)],
                        p_hbm.at[c, pl.ds(base, TILE_ROWS)])
        if with_deg:
            pltpu.sync_copy(deg_sh.at[pl.ds(base, TILE_ROWS)],
                            deg_hbm.at[c, pl.ds(base, TILE_ROWS)])

    return body(h, src3, dst3, zeros2)


def _tc_init(x, w):
    def body(x_ref, w_ref, o_ref):
        o_ref[...] = jnp.dot(x_ref[...], w_ref[...],
                             preferred_element_type=jnp.float32)

    return pl.pallas_call(
        body,
        grid=(10,),
        in_specs=[
            pl.BlockSpec((1000, D), lambda i: (i, 0)),
            pl.BlockSpec((D, D), lambda i: (0, 0)),
        ],
        out_specs=pl.BlockSpec((1000, D), lambda i: (i, 0)),
        out_shape=jax.ShapeDtypeStruct((N, D), jnp.float32),
    )(x, w)


def _tc_combine(p, deg3, h, w, b, w_out=None):
    def body(p_ref, deg_ref, h_ref, w_ref, b_ref, *rest):
        if w_out is None:
            o_ref = rest[0]
        else:
            wo_ref, o_ref = rest
        agg = p_ref[0] + p_ref[1]
        degs = deg_ref[0] + deg_ref[1]
        z = agg / (degs + 1.0) + h_ref[...]
        hn = jnp.maximum(
            jnp.dot(z, w_ref[...], preferred_element_type=jnp.float32)
            + b_ref[...], 0.0)
        if w_out is None:
            o_ref[...] = hn
        else:
            o_ref[...] = jnp.dot(hn, wo_ref[...],
                                 preferred_element_type=jnp.float32)

    in_specs = [
        pl.BlockSpec((NC, 1000, D), lambda i: (0, i, 0)),
        pl.BlockSpec((NC, 1000, 1), lambda i: (0, i, 0)),
        pl.BlockSpec((1000, D), lambda i: (i, 0)),
        pl.BlockSpec((D, D), lambda i: (0, 0)),
        pl.BlockSpec((1, D), lambda i: (0, 0)),
    ]
    args = [p, deg3, h, w, b.reshape(1, D)]
    if w_out is not None:
        in_specs.append(pl.BlockSpec((D, D), lambda i: (0, 0)))
        args.append(w_out)

    return pl.pallas_call(
        body,
        grid=(10,),
        in_specs=in_specs,
        out_specs=pl.BlockSpec((1000, D), lambda i: (i, 0)),
        out_shape=jax.ShapeDtypeStruct((N, D), jnp.float32),
    )(*args)


def kernel(x, edge_index, W_in, W_layers, b_layers, W_out):
    E = edge_index.shape[1]
    k2 = 2 * (-(-E // (NW * CH)))
    ka = (k2 * KA_FRAC_NUM) // KA_FRAC_DEN
    kb = k2 - ka
    kmax = max(ka, kb)
    e_pad = NS * k2 * CH

    dst = edge_index[0].astype(jnp.int32)
    src = edge_index[1].astype(jnp.int32)
    src_p = jnp.concatenate([src, jnp.zeros((e_pad - E,), jnp.int32)])
    dst_p = jnp.concatenate([dst, jnp.full((e_pad - E,), N, jnp.int32)])
    def layout(flat, fill):
        a = flat[:NS * ka * CH].reshape(NS, ka, CH)
        b = flat[NS * ka * CH:].reshape(NS, kb, CH)
        a = jnp.pad(a, ((0, 0), (0, kmax - ka), (0, 0)), constant_values=fill)
        b = jnp.pad(b, ((0, 0), (0, kmax - kb), (0, 0)), constant_values=fill)
        return jnp.concatenate([a, b], axis=0)

    src3 = layout(src_p, 0)
    dst3 = layout(dst_p, N)
    zeros2 = jnp.zeros((N_PAD, D), jnp.float32)

    h = _tc_init(x, W_in)

    p0, deg0 = _sc_aggregate(h, src3, dst3, zeros2, ka, kb, with_deg=True)
    deg3 = deg0[:, :, None]
    h = _tc_combine(p0, deg3, h, W_layers[0], b_layers[0])

    (p1,) = _sc_aggregate(h, src3, dst3, zeros2, ka, kb, with_deg=False)
    out = _tc_combine(p1, deg3, h, W_layers[1], b_layers[1], w_out=W_out)
    return out

# --- scband reference (transcript-rebuilt; emitter-appended) ---
"""Pipeline reference for scband-graph-neural-network-49855980372316 (READ-ONLY COPY).

The authoritative reference and input builder live on the scoring server;
editing this copy changes nothing except your own understanding.
"""

import jax, jax.numpy as jnp
import numpy as np

N = 10000
E = 320000
D_IN = 128
D_H = 128
D_OUT = 128
LAYERS = 2


def setup_inputs(seed: int = 0) -> dict:
    key = jax.random.key(seed)
    ks = jax.random.split(key, 8)
    x = jax.random.normal(ks[0], (N, D_IN), dtype=jnp.float32)
    edge_index = jax.random.randint(ks[1], (2, E), 0, N)
    W_in = jax.random.normal(ks[2], (D_IN, D_H), dtype=jnp.float32) * 0.05
    W_layers = jax.random.normal(ks[3], (LAYERS, D_H, D_H), dtype=jnp.float32) * 0.05
    b_layers = jnp.zeros((LAYERS, D_H), dtype=jnp.float32)
    W_out = jax.random.normal(ks[4], (D_H, D_OUT), dtype=jnp.float32) * 0.05
    return {"x": x, "edge_index": edge_index, "W_in": W_in, "W_layers": W_layers, "b_layers": b_layers, "W_out": W_out}


def reference(x, edge_index, W_in, W_layers, b_layers, W_out):
    # Concrete GNN realization of the abstract class:
    #   initialize: linear projection in -> hidden
    #   aggregate:  sum of (normalized) neighbor features
    #   combine:    relu((agg + self) @ W_l + b_l)
    #   output:     linear projection hidden -> out
    dst = edge_index[0]  # edge[0]: node receiving the message
    src = edge_index[1]  # edge[1]: node providing the feature
    # out-degree of each node, counted over edge_index[0] (as in the torch loop)
    deg = jnp.zeros((N,), dtype=jnp.float32).at[dst].add(1.0)
    # adj_normalizer == 'row': normalizer = degree_u + 1 (degree of the receiving node)
    norm = deg[dst] + 1.0

    h = x @ W_in  # initialize
    for l in range(LAYERS):
        msgs = h[src] / norm[:, None]  # gather + normalize
        agg = jnp.zeros_like(h).at[dst].add(msgs)  # scatter-add aggregation (sum)
        h = jax.nn.relu((agg + h) @ W_layers[l] + b_layers[l])  # combine
    out = h @ W_out  # output
    return out

if __name__ == "__main__":
    import jax
    _d = setup_inputs()
    print(jax.jit(kernel)(*tuple(_d.values())))

</pallas_src>

<mosaic_0001>
#map = affine_map<(d0, d1) -> (0, 0)>
#map1 = affine_map<(d0, d1) -> (0, 0, 0)>
module attributes {stable_mosaic.version = 14 : i64} {
  func.func @body(%arg0: i32, %arg1: i32, %arg2: memref<10000x128xf32, #tpu.memory_space<hbm>>, %arg3: memref<32x107x128xi32, #tpu.memory_space<hbm>>, %arg4: memref<32x107x128xi32, #tpu.memory_space<hbm>>, %arg5: memref<10240x128xf32, #tpu.memory_space<hbm>>, %arg6: memref<2x10240x128xf32, #tpu.memory_space<hbm>>, %arg7: memref<107x128xi32, #tpu.memory_space<vmem>>, %arg8: memref<107x128xi32, #tpu.memory_space<vmem>>, %arg9: memref<128x128xf32, #tpu.memory_space<vmem>>, %arg10: memref<10240x128xf32, #tpu.memory_space<vmem_shared>>, %arg11: memref<!tpu.dma_semaphore, #tpu.memory_space<semaphore_mem>>) attributes {dimension_semantics = [#tpu.dimension_semantics<core_parallel>, #tpu.dimension_semantics<subcore_parallel>], iteration_bounds = array<i64: 2, 16>, scalar_prefetch = 0 : i64, scratch_operands = 5 : i64, tpu.core_type = #tpu.core_type<sc_vector_subcore>, window_params = [{transform_indices = #map}, {transform_indices = #map1}, {transform_indices = #map1}, {transform_indices = #map}, {transform_indices = #map1}]} {
    %mul3A = arith.constant 16 : i32
    %mul3A_0 = arith.muli %arg0, %mul3A : i32
    %add3A = arith.addi %mul3A_0, %arg1 : i32
    %mul3A_1 = arith.constant 640 : i32
    %mul3A_2 = arith.muli %arg1, %mul3A_1 : i32
    "tpu.region"() ({
      %run_scoped3A = tpu.sem_alloc : memref<!tpu.dma_semaphore, #tpu.memory_space<semaphore_mem>>
      %dma_start3A = arith.constant 0 : i32
      %dma_start3A_11 = tpu.memref_slice %arg10[%mul3A_2, %dma_start3A] : memref<10240x128xf32, #tpu.memory_space<vmem_shared>> -> memref<640x128xf32, #tpu.memory_space<vmem_shared>>
      %dma_start3A_12 = arith.constant 0 : i32
      %dma_start3A_13 = tpu.memref_slice %arg5[%mul3A_2, %dma_start3A_12] : memref<10240x128xf32, #tpu.memory_space<hbm>> -> memref<640x128xf32, #tpu.memory_space<hbm>>
      tpu.enqueue_dma source(%dma_start3A_13 : memref<640x128xf32, #tpu.memory_space<hbm>>) target(%dma_start3A_11 : memref<640x128xf32, #tpu.memory_space<vmem_shared>>) target_semaphore(%run_scoped3A : memref<!tpu.dma_semaphore, #tpu.memory_space<semaphore_mem>>)
      %dma_wait3A = arith.constant 0 : i32
      %dma_wait3A_14 = tpu.memref_slice %arg10[%mul3A_2, %dma_wait3A] : memref<10240x128xf32, #tpu.memory_space<vmem_shared>> -> memref<640x128xf32, #tpu.memory_space<vmem_shared>>
      %dma_wait3A_15 = arith.constant 0 : i32
      %dma_wait3A_16 = tpu.memref_slice %arg5[%mul3A_2, %dma_wait3A_15] : memref<10240x128xf32, #tpu.memory_space<hbm>> -> memref<640x128xf32, #tpu.memory_space<hbm>>
      tpu.wait_dma2 semaphore(%run_scoped3A : memref<!tpu.dma_semaphore, #tpu.memory_space<semaphore_mem>>) src(%dma_wait3A_16 : memref<640x128xf32, #tpu.memory_space<hbm>>) dst(%dma_wait3A_14 : memref<640x128xf32, #tpu.memory_space<vmem_shared>>)
      tpu.yield
    }) : () -> ()
    "tpu.region"() ({
      %run_scoped3A = tpu.sem_alloc : memref<!tpu.dma_semaphore, #tpu.memory_space<semaphore_mem>>
      %dma_start3A = arith.constant 0 : i32
      %dma_start3A_11 = arith.constant 0 : i32
      %dma_start3A_12 = tpu.memref_slice %arg3[%add3A, %dma_start3A, %dma_start3A_11] : memref<32x107x128xi32, #tpu.memory_space<hbm>> -> memref<1x107x128xi32, #tpu.memory_space<hbm>>
      %dma_start3A_13 = tpu.memref_squeeze %dma_start3A_12 : memref<1x107x128xi32, #tpu.memory_space<hbm>> -> memref<107x128xi32, #tpu.memory_space<hbm>>
      %dma_start3A_14 = arith.constant 0 : i32
      %dma_start3A_15 = arith.constant 0 : i32
      %dma_start3A_16 = tpu.memref_slice %arg3[%add3A, %dma_start3A_14, %dma_start3A_15] : memref<32x107x128xi32, #tpu.memory_space<hbm>> -> memref<1x107x128xi32, #tpu.memory_space<hbm>>
      %dma_start3A_17 = tpu.memref_squeeze %dma_start3A_16 : memref<1x107x128xi32, #tpu.memory_space<hbm>> -> memref<107x128xi32, #tpu.memory_space<hbm>>
      tpu.enqueue_dma source(%dma_start3A_17 : memref<107x128xi32, #tpu.memory_space<hbm>>) target(%arg7 : memref<107x128xi32, #tpu.memory_space<vmem>>) target_semaphore(%run_scoped3A : memref<!tpu.dma_semaphore, #tpu.memory_space<semaphore_mem>>)
      %dma_wait3A = arith.constant 0 : i32
      %dma_wait3A_18 = arith.constant 0 : i32
      %dma_wait3A_19 = tpu.memref_slice %arg3[%add3A, %dma_wait3A, %dma_wait3A_18] : memref<32x107x128xi32, #tpu.memory_space<hbm>> -> memref<1x107x128xi32, #tpu.memory_space<hbm>>
      %dma_wait3A_20 = tpu.memref_squeeze %dma_wait3A_19 : memref<1x107x128xi32, #tpu.memory_space<hbm>> -> memref<107x128xi32, #tpu.memory_space<hbm>>
      %dma_wait3A_21 = arith.constant 0 : i32
      %dma_wait3A_22 = arith.constant 0 : i32
      %dma_wait3A_23 = tpu.memref_slice %arg3[%add3A, %dma_wait3A_21, %dma_wait3A_22] : memref<32x107x128xi32, #tpu.memory_space<hbm>> -> memref<1x107x128xi32, #tpu.memory_space<hbm>>
      %dma_wait3A_24 = tpu.memref_squeeze %dma_wait3A_23 : memref<1x107x128xi32, #tpu.memory_space<hbm>> -> memref<107x128xi32, #tpu.memory_space<hbm>>
      tpu.wait_dma2 semaphore(%run_scoped3A : memref<!tpu.dma_semaphore, #tpu.memory_space<semaphore_mem>>) src(%dma_wait3A_24 : memref<107x128xi32, #tpu.memory_space<hbm>>) dst(%arg7 : memref<107x128xi32, #tpu.memory_space<vmem>>)
      tpu.yield
    }) : () -> ()
    "tpu.region"() ({
      %run_scoped3A = tpu.sem_alloc : memref<!tpu.dma_semaphore, #tpu.memory_space<semaphore_mem>>
      %dma_start3A = arith.constant 0 : i32
      %dma_start3A_11 = arith.constant 0 : i32
      %dma_start3A_12 = tpu.memref_slice %arg4[%add3A, %dma_start3A, %dma_start3A_11] : memref<32x107x128xi32, #tpu.memory_space<hbm>> -> memref<1x107x128xi32, #tpu.memory_space<hbm>>
      %dma_start3A_13 = tpu.memref_squeeze %dma_start3A_12 : memref<1x107x128xi32, #tpu.memory_space<hbm>> -> memref<107x128xi32, #tpu.memory_space<hbm>>
      %dma_start3A_14 = arith.constant 0 : i32
      %dma_start3A_15 = arith.constant 0 : i32
      %dma_start3A_16 = tpu.memref_slice %arg4[%add3A, %dma_start3A_14, %dma_start3A_15] : memref<32x107x128xi32, #tpu.memory_space<hbm>> -> memref<1x107x128xi32, #tpu.memory_space<hbm>>
      %dma_start3A_17 = tpu.memref_squeeze %dma_start3A_16 : memref<1x107x128xi32, #tpu.memory_space<hbm>> -> memref<107x128xi32, #tpu.memory_space<hbm>>
      tpu.enqueue_dma source(%dma_start3A_17 : memref<107x128xi32, #tpu.memory_space<hbm>>) target(%arg8 : memref<107x128xi32, #tpu.memory_space<vmem>>) target_semaphore(%run_scoped3A : memref<!tpu.dma_semaphore, #tpu.memory_space<semaphore_mem>>)
      %dma_wait3A = arith.constant 0 : i32
      %dma_wait3A_18 = arith.constant 0 : i32
      %dma_wait3A_19 = tpu.memref_slice %arg4[%add3A, %dma_wait3A, %dma_wait3A_18] : memref<32x107x128xi32, #tpu.memory_space<hbm>> -> memref<1x107x128xi32, #tpu.memory_space<hbm>>
      %dma_wait3A_20 = tpu.memref_squeeze %dma_wait3A_19 : memref<1x107x128xi32, #tpu.memory_space<hbm>> -> memref<107x128xi32, #tpu.memory_space<hbm>>
      %dma_wait3A_21 = arith.constant 0 : i32
      %dma_wait3A_22 = arith.constant 0 : i32
      %dma_wait3A_23 = tpu.memref_slice %arg4[%add3A, %dma_wait3A_21, %dma_wait3A_22] : memref<32x107x128xi32, #tpu.memory_space<hbm>> -> memref<1x107x128xi32, #tpu.memory_space<hbm>>
      %dma_wait3A_24 = tpu.memref_squeeze %dma_wait3A_23 : memref<1x107x128xi32, #tpu.memory_space<hbm>> -> memref<107x128xi32, #tpu.memory_space<hbm>>
      tpu.wait_dma2 semaphore(%run_scoped3A : memref<!tpu.dma_semaphore, #tpu.memory_space<semaphore_mem>>) src(%dma_wait3A_24 : memref<107x128xi32, #tpu.memory_space<hbm>>) dst(%arg8 : memref<107x128xi32, #tpu.memory_space<vmem>>)
      tpu.yield
    }) : () -> ()
    %barrier3A = arith.constant 0 : index
    tpu.barrier barrier_id(%barrier3A)
    %eq3A = arith.constant 0 : i32
    %eq3A_3 = arith.cmpi eq, %arg0, %eq3A : i32
    %convert_element_type3A = arith.extui %eq3A_3 : i1 to i32
    %cond3A = arith.constant 0 : i32
    %cond3A_4 = arith.cmpi ne, %convert_element_type3A, %cond3A : i32
    scf.if %cond3A_4 {
      %scan3A = arith.constant 0 : i32
      %scan3A_11 = arith.constant 0 : i32
      %scan3A_12 = arith.constant 107 : i32
      %scan3A_13 = arith.addi %scan3A_11, %scan3A_12 : i32
      %scan3A_14 = arith.constant 1 : i32
      scf.for %scan3A_16 = %scan3A_11 to %scan3A_13 step %scan3A_14  : i32 {
        %dma_start3A = arith.constant 0 : i32
        %dma_start3A_17 = tpu.memref_slice %arg7[%scan3A_16, %dma_start3A] : memref<107x128xi32, #tpu.memory_space<vmem>> -> memref<1x128xi32, #tpu.memory_space<vmem>>
        %dma_start3A_18 = tpu.memref_squeeze %dma_start3A_17 : memref<1x128xi32, #tpu.memory_space<vmem>> -> memref<128xi32, #tpu.memory_space<vmem>>
        %dma_start3A_19 = arith.constant 0 : i32
        %dma_start3A_20 = arith.constant 0 : i32
        %dma_start3A_21 = tpu.memref_slice %arg2[%dma_start3A_19, %dma_start3A_20] : memref<10000x128xf32, #tpu.memory_space<hbm>> -> memref<10000x128xf32, #tpu.memory_space<hbm>>
        tpu.enqueue_indirect_dma source(%dma_start3A_21 : memref<10000x128xf32, #tpu.memory_space<hbm>>) target(%arg9 : memref<128x128xf32, #tpu.memory_space<vmem>>) offsets(%dma_start3A_18 : memref<128xi32, #tpu.memory_space<vmem>>) semaphore(%arg11 : memref<!tpu.dma_semaphore, #tpu.memory_space<semaphore_mem>>)
        %dma_wait3A = arith.constant 0 : i32
        %dma_wait3A_22 = tpu.memref_slice %arg7[%scan3A_16, %dma_wait3A] : memref<107x128xi32, #tpu.memory_space<vmem>> -> memref<1x128xi32, #tpu.memory_space<vmem>>
        %dma_wait3A_23 = tpu.memref_squeeze %dma_wait3A_22 : memref<1x128xi32, #tpu.memory_space<vmem>> -> memref<128xi32, #tpu.memory_space<vmem>>
        %dma_wait3A_24 = arith.constant 0 : i32
        %dma_wait3A_25 = arith.constant 0 : i32
        %dma_wait3A_26 = tpu.memref_slice %arg2[%dma_wait3A_24, %dma_wait3A_25] : memref<10000x128xf32, #tpu.memory_space<hbm>> -> memref<10000x128xf32, #tpu.memory_space<hbm>>
        tpu.wait_indirect_dma semaphore(%arg11 : memref<!tpu.dma_semaphore, #tpu.memory_space<semaphore_mem>>) src(%dma_wait3A_26 : memref<10000x128xf32, #tpu.memory_space<hbm>>) dst(%arg9 : memref<128x128xf32, #tpu.memory_space<vmem>>)
        "tpu.region"() ({
          %run_scoped3A = tpu.sem_alloc : memref<!tpu.dma_semaphore, #tpu.memory_space<semaphore_mem>>
          %dma_start3A_27 = arith.constant 0 : i32
          %dma_start3A_28 = tpu.memref_slice %arg8[%scan3A_16, %dma_start3A_27] : memref<107x128xi32, #tpu.memory_space<vmem>> -> memref<1x128xi32, #tpu.memory_space<vmem>>
          %dma_start3A_29 = tpu.memref_squeeze %dma_start3A_28 : memref<1x128xi32, #tpu.memory_space<vmem>> -> memref<128xi32, #tpu.memory_space<vmem>>
          %dma_start3A_30 = arith.constant 0 : i32
          %dma_start3A_31 = arith.constant 0 : i32
          %dma_start3A_32 = tpu.memref_slice %arg10[%dma_start3A_30, %dma_start3A_31] : memref<10240x128xf32, #tpu.memory_space<vmem_shared>> -> memref<10240x128xf32, #tpu.memory_space<vmem_shared>>
          tpu.enqueue_indirect_dma source(%arg9 : memref<128x128xf32, #tpu.memory_space<vmem>>) target(%dma_start3A_32 : memref<10240x128xf32, #tpu.memory_space<vmem_shared>>) offsets(%dma_start3A_29 : memref<128xi32, #tpu.memory_space<vmem>>) semaphore(%run_scoped3A : memref<!tpu.dma_semaphore, #tpu.memory_space<semaphore_mem>>) {add = true}
          %dma_wait3A_33 = arith.constant 0 : i32
          %dma_wait3A_34 = tpu.memref_slice %arg8[%scan3A_16, %dma_wait3A_33] : memref<107x128xi32, #tpu.memory_space<vmem>> -> memref<1x128xi32, #tpu.memory_space<vmem>>
          %dma_wait3A_35 = tpu.memref_squeeze %dma_wait3A_34 : memref<1x128xi32, #tpu.memory_space<vmem>> -> memref<128xi32, #tpu.memory_space<vmem>>
          %dma_wait3A_36 = arith.constant 0 : i32
          %dma_wait3A_37 = arith.constant 0 : i32
          %dma_wait3A_38 = tpu.memref_slice %arg10[%dma_wait3A_36, %dma_wait3A_37] : memref<10240x128xf32, #tpu.memory_space<vmem_shared>> -> memref<10240x128xf32, #tpu.memory_space<vmem_shared>>
          tpu.wait_indirect_dma semaphore(%run_scoped3A : memref<!tpu.dma_semaphore, #tpu.memory_space<semaphore_mem>>) src(%arg9 : memref<128x128xf32, #tpu.memory_space<vmem>>) dst(%dma_wait3A_38 : memref<10240x128xf32, #tpu.memory_space<vmem_shared>>)
          tpu.yield
        }) : () -> ()
      }
      %scan3A_15 = arith.constant 107 : i32
    } else {
    }
    %eq3A_5 = arith.constant 1 : i32
    %eq3A_6 = arith.cmpi eq, %arg0, %eq3A_5 : i32
    %convert_element_type3A_7 = arith.extui %eq3A_6 : i1 to i32
    %cond3A_8 = arith.constant 0 : i32
    %cond3A_9 = arith.cmpi ne, %convert_element_type3A_7, %cond3A_8 : i32
    scf.if %cond3A_9 {
      %scan3A = arith.constant 0 : i32
      %scan3A_11 = arith.constant 0 : i32
      %scan3A_12 = arith.constant 51 : i32
      %scan3A_13 = arith.addi %scan3A_11, %scan3A_12 : i32
      %scan3A_14 = arith.constant 1 : i32
      scf.for %scan3A_16 = %scan3A_11 to %scan3A_13 step %scan3A_14  : i32 {
        %dma_start3A = arith.constant 0 : i32
        %dma_start3A_17 = tpu.memref_slice %arg7[%scan3A_16, %dma_start3A] : memref<107x128xi32, #tpu.memory_space<vmem>> -> memref<1x128xi32, #tpu.memory_space<vmem>>
        %dma_start3A_18 = tpu.memref_squeeze %dma_start3A_17 : memref<1x128xi32, #tpu.memory_space<vmem>> -> memref<128xi32, #tpu.memory_space<vmem>>
        %dma_start3A_19 = arith.constant 0 : i32
        %dma_start3A_20 = arith.constant 0 : i32
        %dma_start3A_21 = tpu.memref_slice %arg2[%dma_start3A_19, %dma_start3A_20] : memref<10000x128xf32, #tpu.memory_space<hbm>> -> memref<10000x128xf32, #tpu.memory_space<hbm>>
        tpu.enqueue_indirect_dma source(%dma_start3A_21 : memref<10000x128xf32, #tpu.memory_space<hbm>>) target(%arg9 : memref<128x128xf32, #tpu.memory_space<vmem>>) offsets(%dma_start3A_18 : memref<128xi32, #tpu.memory_space<vmem>>) semaphore(%arg11 : memref<!tpu.dma_semaphore, #tpu.memory_space<semaphore_mem>>)
        %dma_wait3A = arith.constant 0 : i32
        %dma_wait3A_22 = tpu.memref_slice %arg7[%scan3A_16, %dma_wait3A] : memref<107x128xi32, #tpu.memory_space<vmem>> -> memref<1x128xi32, #tpu.memory_space<vmem>>
        %dma_wait3A_23 = tpu.memref_squeeze %dma_wait3A_22 : memref<1x128xi32, #tpu.memory_space<vmem>> -> memref<128xi32, #tpu.memory_space<vmem>>
        %dma_wait3A_24 = arith.constant 0 : i32
        %dma_wait3A_25 = arith.constant 0 : i32
        %dma_wait3A_26 = tpu.memref_slice %arg2[%dma_wait3A_24, %dma_wait3A_25] : memref<10000x128xf32, #tpu.memory_space<hbm>> -> memref<10000x128xf32, #tpu.memory_space<hbm>>
        tpu.wait_indirect_dma semaphore(%arg11 : memref<!tpu.dma_semaphore, #tpu.memory_space<semaphore_mem>>) src(%dma_wait3A_26 : memref<10000x128xf32, #tpu.memory_space<hbm>>) dst(%arg9 : memref<128x128xf32, #tpu.memory_space<vmem>>)
        "tpu.region"() ({
          %run_scoped3A = tpu.sem_alloc : memref<!tpu.dma_semaphore, #tpu.memory_space<semaphore_mem>>
          %dma_start3A_27 = arith.constant 0 : i32
          %dma_start3A_28 = tpu.memref_slice %arg8[%scan3A_16, %dma_start3A_27] : memref<107x128xi32, #tpu.memory_space<vmem>> -> memref<1x128xi32, #tpu.memory_space<vmem>>
          %dma_start3A_29 = tpu.memref_squeeze %dma_start3A_28 : memref<1x128xi32, #tpu.memory_space<vmem>> -> memref<128xi32, #tpu.memory_space<vmem>>
          %dma_start3A_30 = arith.constant 0 : i32
          %dma_start3A_31 = arith.constant 0 : i32
          %dma_start3A_32 = tpu.memref_slice %arg10[%dma_start3A_30, %dma_start3A_31] : memref<10240x128xf32, #tpu.memory_space<vmem_shared>> -> memref<10240x128xf32, #tpu.memory_space<vmem_shared>>
          tpu.enqueue_indirect_dma source(%arg9 : memref<128x128xf32, #tpu.memory_space<vmem>>) target(%dma_start3A_32 : memref<10240x128xf32, #tpu.memory_space<vmem_shared>>) offsets(%dma_start3A_29 : memref<128xi32, #tpu.memory_space<vmem>>) semaphore(%run_scoped3A : memref<!tpu.dma_semaphore, #tpu.memory_space<semaphore_mem>>) {add = true}
          %dma_wait3A_33 = arith.constant 0 : i32
          %dma_wait3A_34 = tpu.memref_slice %arg8[%scan3A_16, %dma_wait3A_33] : memref<107x128xi32, #tpu.memory_space<vmem>> -> memref<1x128xi32, #tpu.memory_space<vmem>>
          %dma_wait3A_35 = tpu.memref_squeeze %dma_wait3A_34 : memref<1x128xi32, #tpu.memory_space<vmem>> -> memref<128xi32, #tpu.memory_space<vmem>>
          %dma_wait3A_36 = arith.constant 0 : i32
          %dma_wait3A_37 = arith.constant 0 : i32
          %dma_wait3A_38 = tpu.memref_slice %arg10[%dma_wait3A_36, %dma_wait3A_37] : memref<10240x128xf32, #tpu.memory_space<vmem_shared>> -> memref<10240x128xf32, #tpu.memory_space<vmem_shared>>
          tpu.wait_indirect_dma semaphore(%run_scoped3A : memref<!tpu.dma_semaphore, #tpu.memory_space<semaphore_mem>>) src(%arg9 : memref<128x128xf32, #tpu.memory_space<vmem>>) dst(%dma_wait3A_38 : memref<10240x128xf32, #tpu.memory_space<vmem_shared>>)
          tpu.yield
        }) : () -> ()
      }
      %scan3A_15 = arith.constant 51 : i32
    } else {
    }
    %barrier3A_10 = arith.constant 0 : index
    tpu.barrier barrier_id(%barrier3A_10)
    "tpu.region"() ({
      %run_scoped3A = tpu.sem_alloc : memref<!tpu.dma_semaphore, #tpu.memory_space<semaphore_mem>>
      %dma_start3A = arith.constant 0 : i32
      %dma_start3A_11 = tpu.memref_slice %arg6[%arg0, %mul3A_2, %dma_start3A] : memref<2x10240x128xf32, #tpu.memory_space<hbm>> -> memref<1x640x128xf32, #tpu.memory_space<hbm>>
      %dma_start3A_12 = tpu.memref_squeeze %dma_start3A_11 : memref<1x640x128xf32, #tpu.memory_space<hbm>> -> memref<640x128xf32, #tpu.memory_space<hbm>>
      %dma_start3A_13 = arith.constant 0 : i32
      %dma_start3A_14 = tpu.memref_slice %arg10[%mul3A_2, %dma_start3A_13] : memref<10240x128xf32, #tpu.memory_space<vmem_shared>> -> memref<640x128xf32, #tpu.memory_space<vmem_shared>>
      tpu.enqueue_dma source(%dma_start3A_14 : memref<640x128xf32, #tpu.memory_space<vmem_shared>>) target(%dma_start3A_12 : memref<640x128xf32, #tpu.memory_space<hbm>>) target_semaphore(%run_scoped3A : memref<!tpu.dma_semaphore, #tpu.memory_space<semaphore_mem>>)
      %dma_wait3A = arith.constant 0 : i32
      %dma_wait3A_15 = tpu.memref_slice %arg6[%arg0, %mul3A_2, %dma_wait3A] : memref<2x10240x128xf32, #tpu.memory_space<hbm>> -> memref<1x640x128xf32, #tpu.memory_space<hbm>>
      %dma_wait3A_16 = tpu.memref_squeeze %dma_wait3A_15 : memref<1x640x128xf32, #tpu.memory_space<hbm>> -> memref<640x128xf32, #tpu.memory_space<hbm>>
      %dma_wait3A_17 = arith.constant 0 : i32
      %dma_wait3A_18 = tpu.memref_slice %arg10[%mul3A_2, %dma_wait3A_17] : memref<10240x128xf32, #tpu.memory_space<vmem_shared>> -> memref<640x128xf32, #tpu.memory_space<vmem_shared>>
      tpu.wait_dma2 semaphore(%run_scoped3A : memref<!tpu.dma_semaphore, #tpu.memory_space<semaphore_mem>>) src(%dma_wait3A_18 : memref<640x128xf32, #tpu.memory_space<vmem_shared>>) dst(%dma_wait3A_16 : memref<640x128xf32, #tpu.memory_space<hbm>>)
      tpu.yield
    }) : () -> ()
    return
  }
}

#map = affine_map<(d0, d1) -> (0, 0)>
#map1 = affine_map<(d0, d1) -> (0, 0, 0)>
module attributes {stable_mosaic.version = 14 : i64} {
  func.func @body(%arg0: i32, %arg1: i32, %arg2: memref<10000x128xf32, #tpu.memory_space<hbm>>, %arg3: memref<32x107x128xi32, #tpu.memory_space<hbm>>, %arg4: memref<32x107x128xi32, #tpu.memory_space<hbm>>, %arg5: memref<10240x128xf32, #tpu.memory_space<hbm>>, %arg6: memref<2x10240x128xf32, #tpu.memory_space<hbm>>, %arg7: memref<2x10240xf32, #tpu.memory_space<hbm>>, %arg8: memref<107x128xi32, #tpu.memory_space<vmem>>, %arg9: memref<107x128xi32, #tpu.memory_space<vmem>>, %arg10: memref<128x128xf32, #tpu.memory_space<vmem>>, %arg11: memref<10240x128xf32, #tpu.memory_space<vmem_shared>>, %arg12: memref<!tpu.dma_semaphore, #tpu.memory_space<semaphore_mem>>, %arg13: memref<128xf32, #tpu.memory_space<vmem>>, %arg14: memref<640xf32, #tpu.memory_space<vmem>>, %arg15: memref<10240xf32, #tpu.memory_space<vmem_shared>>) attributes {dimension_semantics = [#tpu.dimension_semantics<core_parallel>, #tpu.dimension_semantics<subcore_parallel>], iteration_bounds = array<i64: 2, 16>, scalar_prefetch = 0 : i64, scratch_operands = 8 : i64, tpu.core_type = #tpu.core_type<sc_vector_subcore>, window_params = [{transform_indices = #map}, {transform_indices = #map1}, {transform_indices = #map1}, {transform_indices = #map}, {transform_indices = #map1}, {transform_indices = #map}]} {
    %mul3A = arith.constant 16 : i32
    %mul3A_0 = arith.muli %arg0, %mul3A : i32
    %add3A = arith.addi %mul3A_0, %arg1 : i32
    %mul3A_1 = arith.constant 640 : i32
    %mul3A_2 = arith.muli %arg1, %mul3A_1 : i32
    %broadcast_in_dim3A = arith.constant 1.000000e+00 : f32
    %broadcast_in_dim3A_3 = vector.broadcast %broadcast_in_dim3A : f32 to vector<16xf32>
    %swap3A = arith.constant 0 : index
    %swap3A_4 = tpu.vector_load %arg13[%swap3A] {strides = array<i32>} : memref<128xf32, #tpu.memory_space<vmem>>, vector<16xf32>,
    %swap3A_5 = vector.shape_cast %swap3A_4 : vector<16xf32> to vector<16xf32>
    %swap3A_6 = vector.shape_cast %broadcast_in_dim3A_3 : vector<16xf32> to vector<16xf32>
    tpu.vector_store %arg13[%swap3A], %swap3A_6 {strides = array<i32>} : memref<128xf32, #tpu.memory_space<vmem>>, vector<16xf32>,
    %broadcast_in_dim3A_7 = arith.constant 1.000000e+00 : f32
    %broadcast_in_dim3A_8 = vector.broadcast %broadcast_in_dim3A_7 : f32 to vector<16xf32>
    %swap3A_9 = arith.constant 16 : index
    %swap3A_10 = tpu.vector_load %arg13[%swap3A_9] {strides = array<i32>} : memref<128xf32, #tpu.memory_space<vmem>>, vector<16xf32>,
    %swap3A_11 = vector.shape_cast %swap3A_10 : vector<16xf32> to vector<16xf32>
    %swap3A_12 = vector.shape_cast %broadcast_in_dim3A_8 : vector<16xf32> to vector<16xf32>
    tpu.vector_store %arg13[%swap3A_9], %swap3A_12 {strides = array<i32>} : memref<128xf32, #tpu.memory_space<vmem>>, vector<16xf32>,
    %broadcast_in_dim3A_13 = arith.constant 1.000000e+00 : f32
    %broadcast_in_dim3A_14 = vector.broadcast %broadcast_in_dim3A_13 : f32 to vector<16xf32>
    %swap3A_15 = arith.constant 32 : index
    %swap3A_16 = tpu.vector_load %arg13[%swap3A_15] {strides = array<i32>} : memref<128xf32, #tpu.memory_space<vmem>>, vector<16xf32>,
    %swap3A_17 = vector.shape_cast %swap3A_16 : vector<16xf32> to vector<16xf32>
    %swap3A_18 = vector.shape_cast %broadcast_in_dim3A_14 : vector<16xf32> to vector<16xf32>
    tpu.vector_store %arg13[%swap3A_15], %swap3A_18 {strides = array<i32>} : memref<128xf32, #tpu.memory_space<vmem>>, vector<16xf32>,
    %broadcast_in_dim3A_19 = arith.constant 1.000000e+00 : f32
    %broadcast_in_dim3A_20 = vector.broadcast %broadcast_in_dim3A_19 : f32 to vector<16xf32>
    %swap3A_21 = arith.constant 48 : index
    %swap3A_22 = tpu.vector_load %arg13[%swap3A_21] {strides = array<i32>} : memref<128xf32, #tpu.memory_space<vmem>>, vector<16xf32>,
    %swap3A_23 = vector.shape_cast %swap3A_22 : vector<16xf32> to vector<16xf32>
    %swap3A_24 = vector.shape_cast %broadcast_in_dim3A_20 : vector<16xf32> to vector<16xf32>
    tpu.vector_store %arg13[%swap3A_21], %swap3A_24 {strides = array<i32>} : memref<128xf32, #tpu.memory_space<vmem>>, vector<16xf32>,
    %broadcast_in_dim3A_25 = arith.constant 1.000000e+00 : f32
    %broadcast_in_dim3A_26 = vector.broadcast %broadcast_in_dim3A_25 : f32 to vector<16xf32>
    %swap3A_27 = arith.constant 64 : index
    %swap3A_28 = tpu.vector_load %arg13[%swap3A_27] {strides = array<i32>} : memref<128xf32, #tpu.memory_space<vmem>>, vector<16xf32>,
    %swap3A_29 = vector.shape_cast %swap3A_28 : vector<16xf32> to vector<16xf32>
    %swap3A_30 = vector.shape_cast %broadcast_in_dim3A_26 : vector<16xf32> to vector<16xf32>
    tpu.vector_store %arg13[%swap3A_27], %swap3A_30 {strides = array<i32>} : memref<128xf32, #tpu.memory_space<vmem>>, vector<16xf32>,
    %broadcast_in_dim3A_31 = arith.constant 1.000000e+00 : f32
    %broadcast_in_dim3A_32 = vector.broadcast %broadcast_in_dim3A_31 : f32 to vector<16xf32>
    %swap3A_33 = arith.constant 80 : index
    %swap3A_34 = tpu.vector_load %arg13[%swap3A_33] {strides = array<i32>} : memref<128xf32, #tpu.memory_space<vmem>>, vector<16xf32>,
    %swap3A_35 = vector.shape_cast %swap3A_34 : vector<16xf32> to vector<16xf32>
    %swap3A_36 = vector.shape_cast %broadcast_in_dim3A_32 : vector<16xf32> to vector<16xf32>
    tpu.vector_store %arg13[%swap3A_33], %swap3A_36 {strides = array<i32>} : memref<128xf32, #tpu.memory_space<vmem>>, vector<16xf32>,
    %broadcast_in_dim3A_37 = arith.constant 1.000000e+00 : f32
    %broadcast_in_dim3A_38 = vector.broadcast %broadcast_in_dim3A_37 : f32 to vector<16xf32>
    %swap3A_39 = arith.constant 96 : index
    %swap3A_40 = tpu.vector_load %arg13[%swap3A_39] {strides = array<i32>} : memref<128xf32, #tpu.memory_space<vmem>>, vector<16xf32>,
    %swap3A_41 = vector.shape_cast %swap3A_40 : vector<16xf32> to vector<16xf32>
    %swap3A_42 = vector.shape_cast %broadcast_in_dim3A_38 : vector<16xf32> to vector<16xf32>
    tpu.vector_store %arg13[%swap3A_39], %swap3A_42 {strides = array<i32>} : memref<128xf32, #tpu.memory_space<vmem>>, vector<16xf32>,
    %broadcast_in_dim3A_43 = arith.constant 1.000000e+00 : f32
    %broadcast_in_dim3A_44 = vector.broadcast %broadcast_in_dim3A_43 : f32 to vector<16xf32>
    %swap3A_45 = arith.constant 112 : index
    %swap3A_46 = tpu.vector_load %arg13[%swap3A_45] {strides = array<i32>} : memref<128xf32, #tpu.memory_space<vmem>>, vector<16xf32>,
    %swap3A_47 = vector.shape_cast %swap3A_46 : vector<16xf32> to vector<16xf32>
    %swap3A_48 = vector.shape_cast %broadcast_in_dim3A_44 : vector<16xf32> to vector<16xf32>
    tpu.vector_store %arg13[%swap3A_45], %swap3A_48 {strides = array<i32>} : memref<128xf32, #tpu.memory_space<vmem>>, vector<16xf32>,
    %broadcast_in_dim3A_49 = arith.constant 0.000000e+00 : f32
    %broadcast_in_dim3A_50 = vector.broadcast %broadcast_in_dim3A_49 : f32 to vector<16xf32>
    %swap3A_51 = arith.constant 0 : index
    %swap3A_52 = tpu.vector_load %arg14[%swap3A_51] {strides = array<i32>} : memref<640xf32, #tpu.memory_space<vmem>>, vector<16xf32>,
    %swap3A_53 = vector.shape_cast %swap3A_52 : vector<16xf32> to vector<16xf32>
    %swap3A_54 = vector.shape_cast %broadcast_in_dim3A_50 : vector<16xf32> to vector<16xf32>
    tpu.vector_store %arg14[%swap3A_51], %swap3A_54 {strides = array<i32>} : memref<640xf32, #tpu.memory_space<vmem>>, vector<16xf32>,
    %broadcast_in_dim3A_55 = arith.constant 0.000000e+00 : f32
    %broadcast_in_dim3A_56 = vector.broadcast %broadcast_in_dim3A_55 : f32 to vector<16xf32>
    %swap3A_57 = arith.constant 16 : index
    %swap3A_58 = tpu.vector_load %arg14[%swap3A_57] {strides = array<i32>} : memref<640xf32, #tpu.memory_space<vmem>>, vector<16xf32>,
    %swap3A_59 = vector.shape_cast %swap3A_58 : vector<16xf32> to vector<16xf32>
    %swap3A_60 = vector.shape_cast %broadcast_in_dim3A_56 : vector<16xf32> to vector<16xf32>
    tpu.vector_store %arg14[%swap3A_57], %swap3A_60 {strides = array<i32>} : memref<640xf32, #tpu.memory_space<vmem>>, vector<16xf32>,
    %broadcast_in_dim3A_61 = arith.constant 0.000000e+00 : f32
    %broadcast_in_dim3A_62 = vector.broadcast %broadcast_in_dim3A_61 : f32 to vector<16xf32>
    %swap3A_63 = arith.constant 32 : index
    %swap3A_64 = tpu.vector_load %arg14[%swap3A_63] {strides = array<i32>} : memref<640xf32, #tpu.memory_space<vmem>>, vector<16xf32>,
    %swap3A_65 = vector.shape_cast %swap3A_64 : vector<16xf32> to vector<16xf32>
    %swap3A_66 = vector.shape_cast %broadcast_in_dim3A_62 : vector<16xf32> to vector<16xf32>
    tpu.vector_store %arg14[%swap3A_63], %swap3A_66 {strides = array<i32>} : memref<640xf32, #tpu.memory_space<vmem>>, vector<16xf32>,
    %broadcast_in_dim3A_67 = arith.constant 0.000000e+00 : f32
    %broadcast_in_dim3A_68 = vector.broadcast %broadcast_in_dim3A_67 : f32 to vector<16xf32>
    %swap3A_69 = arith.constant 48 : index
    %swap3A_70 = tpu.vector_load %arg14[%swap3A_69] {strides = array<i32>} : memref<640xf32, #tpu.memory_space<vmem>>, vector<16xf32>,
    %swap3A_71 = vector.shape_cast %swap3A_70 : vector<16xf32> to vector<16xf32>
    %swap3A_72 = vector.shape_cast %broadcast_in_dim3A_68 : vector<16xf32> to vector<16xf32>
    tpu.vector_store %arg14[%swap3A_69], %swap3A_72 {strides = array<i32>} : memref<640xf32, #tpu.memory_space<vmem>>, vector<16xf32>,
    %broadcast_in_dim3A_73 = arith.constant 0.000000e+00 : f32
    %broadcast_in_dim3A_74 = vector.broadcast %broadcast_in_dim3A_73 : f32 to vector<16xf32>
    %swap3A_75 = arith.constant 64 : index
    %swap3A_76 = tpu.vector_load %arg14[%swap3A_75] {strides = array<i32>} : memref<640xf32, #tpu.memory_space<vmem>>, vector<16xf32>,
    %swap3A_77 = vector.shape_cast %swap3A_76 : vector<16xf32> to vector<16xf32>
    %swap3A_78 = vector.shape_cast %broadcast_in_dim3A_74 : vector<16xf32> to vector<16xf32>
    tpu.vector_store %arg14[%swap3A_75], %swap3A_78 {strides = array<i32>} : memref<640xf32, #tpu.memory_space<vmem>>, vector<16xf32>,
    %broadcast_in_dim3A_79 = arith.constant 0.000000e+00 : f32
    %broadcast_in_dim3A_80 = vector.broadcast %broadcast_in_dim3A_79 : f32 to vector<16xf32>
    %swap3A_81 = arith.constant 80 : index
    %swap3A_82 = tpu.vector_load %arg14[%swap3A_81] {strides = array<i32>} : memref<640xf32, #tpu.memory_space<vmem>>, vector<16xf32>,
    %swap3A_83 = vector.shape_cast %swap3A_82 : vector<16xf32> to vector<16xf32>
    %swap3A_84 = vector.shape_cast %broadcast_in_dim3A_80 : vector<16xf32> to vector<16xf32>
    tpu.vector_store %arg14[%swap3A_81], %swap3A_84 {strides = array<i32>} : memref<640xf32, #tpu.memory_space<vmem>>, vector<16xf32>,
    %broadcast_in_dim3A_85 = arith.constant 0.000000e+00 : f32
    %broadcast_in_dim3A_86 = vector.broadcast %broadcast_in_dim3A_85 : f32 to vector<16xf32>
    %swap3A_87 = arith.constant 96 : index
    %swap3A_88 = tpu.vector_load %arg14[%swap3A_87] {strides = array<i32>} : memref<640xf32, #tpu.memory_space<vmem>>, vector<16xf32>,
    %swap3A_89 = vector.shape_cast %swap3A_88 : vector<16xf32> to vector<16xf32>
    %swap3A_90 = vector.shape_cast %broadcast_in_dim3A_86 : vector<16xf32> to vector<16xf32>
    tpu.vector_store %arg14[%swap3A_87], %swap3A_90 {strides = array<i32>} : memref<640xf32, #tpu.memory_space<vmem>>, vector<16xf32>,
    %broadcast_in_dim3A_91 = arith.constant 0.000000e+00 : f32
    %broadcast_in_dim3A_92 = vector.broadcast %broadcast_in_dim3A_91 : f32 to vector<16xf32>
    %swap3A_93 = arith.constant 112 : index
    %swap3A_94 = tpu.vector_load %arg14[%swap3A_93] {strides = array<i32>} : memref<640xf32, #tpu.memory_space<vmem>>, vector<16xf32>,
    %swap3A_95 = vector.shape_cast %swap3A_94 : vector<16xf32> to vector<16xf32>
    %swap3A_96 = vector.shape_cast %broadcast_in_dim3A_92 : vector<16xf32> to vector<16xf32>
    tpu.vector_store %arg14[%swap3A_93], %swap3A_96 {strides = array<i32>} : memref<640xf32, #tpu.memory_space<vmem>>, vector<16xf32>,
    %broadcast_in_dim3A_97 = arith.constant 0.000000e+00 : f32
    %broadcast_in_dim3A_98 = vector.broadcast %broadcast_in_dim3A_97 : f32 to vector<16xf32>
    %swap3A_99 = arith.constant 128 : index
    %swap3A_100 = tpu.vector_load %arg14[%swap3A_99] {strides = array<i32>} : memref<640xf32, #tpu.memory_space<vmem>>, vector<16xf32>,
    %swap3A_101 = vector.shape_cast %swap3A_100 : vector<16xf32> to vector<16xf32>
    %swap3A_102 = vector.shape_cast %broadcast_in_dim3A_98 : vector<16xf32> to vector<16xf32>
    tpu.vector_store %arg14[%swap3A_99], %swap3A_102 {strides = array<i32>} : memref<640xf32, #tpu.memory_space<vmem>>, vector<16xf32>,
    %broadcast_in_dim3A_103 = arith.constant 0.000000e+00 : f32
    %broadcast_in_dim3A_104 = vector.broadcast %broadcast_in_dim3A_103 : f32 to vector<16xf32>
    %swap3A_105 = arith.constant 144 : index
    %swap3A_106 = tpu.vector_load %arg14[%swap3A_105] {strides = array<i32>} : memref<640xf32, #tpu.memory_space<vmem>>, vector<16xf32>,
    %swap3A_107 = vector.shape_cast %swap3A_106 : vector<16xf32> to vector<16xf32>
    %swap3A_108 = vector.shape_cast %broadcast_in_dim3A_104 : vector<16xf32> to vector<16xf32>
    tpu.vector_store %arg14[%swap3A_105], %swap3A_108 {strides = array<i32>} : memref<640xf32, #tpu.memory_space<vmem>>, vector<16xf32>,
    %broadcast_in_dim3A_109 = arith.constant 0.000000e+00 : f32
    %broadcast_in_dim3A_110 = vector.broadcast %broadcast_in_dim3A_109 : f32 to vector<16xf32>
    %swap3A_111 = arith.constant 160 : index
    %swap3A_112 = tpu.vector_load %arg14[%swap3A_111] {strides = array<i32>} : memref<640xf32, #tpu.memory_space<vmem>>, vector<16xf32>,
    %swap3A_113 = vector.shape_cast %swap3A_112 : vector<16xf32> to vector<16xf32>
    %swap3A_114 = vector.shape_cast %broadcast_in_dim3A_110 : vector<16xf32> to vector<16xf32>
    tpu.vector_store %arg14[%swap3A_111], %swap3A_114 {strides = array<i32>} : memref<640xf32, #tpu.memory_space<vmem>>, vector<16xf32>,
    %broadcast_in_dim3A_115 = arith.constant 0.000000e+00 : f32
    %broadcast_in_dim3A_116 = vector.broadcast %broadcast_in_dim3A_115 : f32 to vector<16xf32>
    %swap3A_117 = arith.constant 176 : index
    %swap3A_118 = tpu.vector_load %arg14[%swap3A_117] {strides = array<i32>} : memref<640xf32, #tpu.memory_space<vmem>>, vector<16xf32>,
    %swap3A_119 = vector.shape_cast %swap3A_118 : vector<16xf32> to vector<16xf32>
    %swap3A_120 = vector.shape_cast %broadcast_in_dim3A_116 : vector<16xf32> to vector<16xf32>
    tpu.vector_store %arg14[%swap3A_117], %swap3A_120 {strides = array<i32>} : memref<640xf32, #tpu.memory_space<vmem>>, vector<16xf32>,
    %broadcast_in_dim3A_121 = arith.constant 0.000000e+00 : f32
    %broadcast_in_dim3A_122 = vector.broadcast %broadcast_in_dim3A_121 : f32 to vector<16xf32>
    %swap3A_123 = arith.constant 192 : index
    %swap3A_124 = tpu.vector_load %arg14[%swap3A_123] {strides = array<i32>} : memref<640xf32, #tpu.memory_space<vmem>>, vector<16xf32>,
    %swap3A_125 = vector.shape_cast %swap3A_124 : vector<16xf32> to vector<16xf32>
    %swap3A_126 = vector.shape_cast %broadcast_in_dim3A_122 : vector<16xf32> to vector<16xf32>
    tpu.vector_store %arg14[%swap3A_123], %swap3A_126 {strides = array<i32>} : memref<640xf32, #tpu.memory_space<vmem>>, vector<16xf32>,
    %broadcast_in_dim3A_127 = arith.constant 0.000000e+00 : f32
    %broadcast_in_dim3A_128 = vector.broadcast %broadcast_in_dim3A_127 : f32 to vector<16xf32>
    %swap3A_129 = arith.constant 208 : index
    %swap3A_130 = tpu.vector_load %arg14[%swap3A_129] {strides = array<i32>} : memref<640xf32, #tpu.memory_space<vmem>>, vector<16xf32>,
    %swap3A_131 = vector.shape_cast %swap3A_130 : vector<16xf32> to vector<16xf32>
    %swap3A_132 = vector.shape_cast %broadcast_in_dim3A_128 : vector<16xf32> to vector<16xf32>
    tpu.vector_store %arg14[%swap3A_129], %swap3A_132 {strides = array<i32>} : memref<640xf32, #tpu.memory_space<vmem>>, vector<16xf32>,
    %broadcast_in_dim3A_133 = arith.constant 0.000000e+00 : f32
    %broadcast_in_dim3A_134 = vector.broadcast %broadcast_in_dim3A_133 : f32 to vector<16xf32>
    %swap3A_135 = arith.constant 224 : index
    %swap3A_136 = tpu.vector_load %arg14[%swap3A_135] {strides = array<i32>} : memref<640xf32, #tpu.memory_space<vmem>>, vector<16xf32>,
    %swap3A_137 = vector.shape_cast %swap3A_136 : vector<16xf32> to vector<16xf32>
    %swap3A_138 = vector.shape_cast %broadcast_in_dim3A_134 : vector<16xf32> to vector<16xf32>
    tpu.vector_store %arg14[%swap3A_135], %swap3A_138 {strides = array<i32>} : memref<640xf32, #tpu.memory_space<vmem>>, vector<16xf32>,
    %broadcast_in_dim3A_139 = arith.constant 0.000000e+00 : f32
    %broadcast_in_dim3A_140 = vector.broadcast %broadcast_in_dim3A_139 : f32 to vector<16xf32>
    %swap3A_141 = arith.constant 240 : index
    %swap3A_142 = tpu.vector_load %arg14[%swap3A_141] {strides = array<i32>} : memref<640xf32, #tpu.memory_space<vmem>>, vector<16xf32>,
    %swap3A_143 = vector.shape_cast %swap3A_142 : vector<16xf32> to vector<16xf32>
    %swap3A_144 = vector.shape_cast %broadcast_in_dim3A_140 : vector<16xf32> to vector<16xf32>
    tpu.vector_store %arg14[%swap3A_141], %swap3A_144 {strides = array<i32>} : memref<640xf32, #tpu.memory_space<vmem>>, vector<16xf32>,
    %broadcast_in_dim3A_145 = arith.constant 0.000000e+00 : f32
    %broadcast_in_dim3A_146 = vector.broadcast %broadcast_in_dim3A_145 : f32 to vector<16xf32>
    %swap3A_147 = arith.constant 256 : index
    %swap3A_148 = tpu.vector_load %arg14[%swap3A_147] {strides = array<i32>} : memref<640xf32, #tpu.memory_space<vmem>>, vector<16xf32>,
    %swap3A_149 = vector.shape_cast %swap3A_148 : vector<16xf32> to vector<16xf32>
    %swap3A_150 = vector.shape_cast %broadcast_in_dim3A_146 : vector<16xf32> to vector<16xf32>
    tpu.vector_store %arg14[%swap3A_147], %swap3A_150 {strides = array<i32>} : memref<640xf32, #tpu.memory_space<vmem>>, vector<16xf32>,
    %broadcast_in_dim3A_151 = arith.constant 0.000000e+00 : f32
    %broadcast_in_dim3A_152 = vector.broadcast %broadcast_in_dim3A_151 : f32 to vector<16xf32>
    %swap3A_153 = arith.constant 272 : index
    %swap3A_154 = tpu.vector_load %arg14[%swap3A_153] {strides = array<i32>} : memref<640xf32, #tpu.memory_space<vmem>>, vector<16xf32>,
    %swap3A_155 = vector.shape_cast %swap3A_154 : vector<16xf32> to vector<16xf32>
    %swap3A_156 = vector.shape_cast %broadcast_in_dim3A_152 : vector<16xf32> to vector<16xf32>
    tpu.vector_store %arg14[%swap3A_153], %swap3A_156 {strides = array<i32>} : memref<640xf32, #tpu.memory_space<vmem>>, vector<16xf32>,
    %broadcast_in_dim3A_157 = arith.constant 0.000000e+00 : f32
    %broadcast_in_dim3A_158 = vector.broadcast %broadcast_in_dim3A_157 : f32 to vector<16xf32>
    %swap3A_159 = arith.constant 288 : index
    %swap3A_160 = tpu.vector_load %arg14[%swap3A_159] {strides = array<i32>} : memref<640xf32, #tpu.memory_space<vmem>>, vector<16xf32>,
    %swap3A_161 = vector.shape_cast %swap3A_160 : vector<16xf32> to vector<16xf32>
    %swap3A_162 = vector.shape_cast %broadcast_in_dim3A_158 : vector<16xf32> to vector<16xf32>
    tpu.vector_store %arg14[%swap3A_159], %swap3A_162 {strides = array<i32>} : memref<640xf32, #tpu.memory_space<vmem>>, vector<16xf32>,
    %broadcast_in_dim3A_163 = arith.constant 0.000000e+00 : f32
    %broadcast_in_dim3A_164 = vector.broadcast %broadcast_in_dim3A_163 : f32 to vector<16xf32>
    %swap3A_165 = arith.constant 304 : index
    %swap3A_166 = tpu.vector_load %arg14[%swap3A_165] {strides = array<i32>} : memref<640xf32, #tpu.memory_space<vmem>>, vector<16xf32>,
    %swap3A_167 = vector.shape_cast %swap3A_166 : vector<16xf32> to vector<16xf32>
    %swap3A_168 = vector.shape_cast %broadcast_in_dim3A_164 : vector<16xf32> to vector<16xf32>
    tpu.vector_store %arg14[%swap3A_165], %swap3A_168 {strides = array<i32>} : memref<640xf32, #tpu.memory_space<vmem>>, vector<16xf32>,
    %broadcast_in_dim3A_169 = arith.constant 0.000000e+00 : f32
    %broadcast_in_dim3A_170 = vector.broadcast %broadcast_in_dim3A_169 : f32 to vector<16xf32>
    %swap3A_171 = arith.constant 320 : index
    %swap3A_172 = tpu.vector_load %arg14[%swap3A_171] {strides = array<i32>} : memref<640xf32, #tpu.memory_space<vmem>>, vector<16xf32>,
    %swap3A_173 = vector.shape_cast %swap3A_172 : vector<16xf32> to vector<16xf32>
    %swap3A_174 = vector.shape_cast %broadcast_in_dim3A_170 : vector<16xf32> to vector<16xf32>
    tpu.vector_store %arg14[%swap3A_171], %swap3A_174 {strides = array<i32>} : memref<640xf32, #tpu.memory_space<vmem>>, vector<16xf32>,
    %broadcast_in_dim3A_175 = arith.constant 0.000000e+00 : f32
    %broadcast_in_dim3A_176 = vector.broadcast %broadcast_in_dim3A_175 : f32 to vector<16xf32>
    %swap3A_177 = arith.constant 336 : index
    %swap3A_178 = tpu.vector_load %arg14[%swap3A_177] {strides = array<i32>} : memref<640xf32, #tpu.memory_space<vmem>>, vector<16xf32>,
    %swap3A_179 = vector.shape_cast %swap3A_178 : vector<16xf32> to vector<16xf32>
    %swap3A_180 = vector.shape_cast %broadcast_in_dim3A_176 : vector<16xf32> to vector<16xf32>
    tpu.vector_store %arg14[%swap3A_177], %swap3A_180 {strides = array<i32>} : memref<640xf32, #tpu.memory_space<vmem>>, vector<16xf32>,
    %broadcast_in_dim3A_181 = arith.constant 0.000000e+00 : f32
    %broadcast_in_dim3A_182 = vector.broadcast %broadcast_in_dim3A_181 : f32 to vector<16xf32>
    %swap3A_183 = arith.constant 352 : index
    %swap3A_184 = tpu.vector_load %arg14[%swap3A_183] {strides = array<i32>} : memref<640xf32, #tpu.memory_space<vmem>>, vector<16xf32>,
    %swap3A_185 = vector.shape_cast %swap3A_184 : vector<16xf32> to vector<16xf32>
    %swap3A_186 = vector.shape_cast %broadcast_in_dim3A_182 : vector<16xf32> to vector<16xf32>
    tpu.vector_store %arg14[%swap3A_183], %swap3A_186 {strides = array<i32>} : memref<640xf32, #tpu.memory_space<vmem>>, vector<16xf32>,
    %broadcast_in_dim3A_187 = arith.constant 0.000000e+00 : f32
    %broadcast_in_dim3A_188 = vector.broadcast %broadcast_in_dim3A_187 : f32 to vector<16xf32>
    %swap3A_189 = arith.constant 368 : index
    %swap3A_190 = tpu.vector_load %arg14[%swap3A_189] {strides = array<i32>} : memref<640xf32, #tpu.memory_space<vmem>>, vector<16xf32>,
    %swap3A_191 = vector.shape_cast %swap3A_190 : vector<16xf32> to vector<16xf32>
    %swap3A_192 = vector.shape_cast %broadcast_in_dim3A_188 : vector<16xf32> to vector<16xf32>
    tpu.vector_store %arg14[%swap3A_189], %swap3A_192 {strides = array<i32>} : memref<640xf32, #tpu.memory_space<vmem>>, vector<16xf32>,
    %broadcast_in_dim3A_193 = arith.constant 0.000000e+00 : f32
    %broadcast_in_dim3A_194 = vector.broadcast %broadcast_in_dim3A_193 : f32 to vector<16xf32>
    %swap3A_195 = arith.constant 384 : index
    %swap3A_196 = tpu.vector_load %arg14[%swap3A_195] {strides = array<i32>} : memref<640xf32, #tpu.memory_space<vmem>>, vector<16xf32>,
    %swap3A_197 = vector.shape_cast %swap3A_196 : vector<16xf32> to vector<16xf32>
    %swap3A_198 = vector.shape_cast %broadcast_in_dim3A_194 : vector<16xf32> to vector<16xf32>
    tpu.vector_store %arg14[%swap3A_195], %swap3A_198 {strides = array<i32>} : memref<640xf32, #tpu.memory_space<vmem>>, vector<16xf32>,
    %broadcast_in_dim3A_199 = arith.constant 0.000000e+00 : f32
    %broadcast_in_dim3A_200 = vector.broadcast %broadcast_in_dim3A_199 : f32 to vector<16xf32>
    %swap3A_201 = arith.constant 400 : index
    %swap3A_202 = tpu.vector_load %arg14[%swap3A_201] {strides = array<i32>} : memref<640xf32, #tpu.memory_space<vmem>>, vector<16xf32>,
    %swap3A_203 = vector.shape_cast %swap3A_202 : vector<16xf32> to vector<16xf32>
    %swap3A_204 = vector.shape_cast %broadcast_in_dim3A_200 : vector<16xf32> to vector<16xf32>
    tpu.vector_store %arg14[%swap3A_201], %swap3A_204 {strides = array<i32>} : memref<640xf32, #tpu.memory_space<vmem>>, vector<16xf32>,
    %broadcast_in_dim3A_205 = arith.constant 0.000000e+00 : f32
    %broadcast_in_dim3A_206 = vector.broadcast %broadcast_in_dim3A_205 : f32 to vector<16xf32>
    %swap3A_207 = arith.constant 416 : index
    %swap3A_208 = tpu.vector_load %arg14[%swap3A_207] {strides = array<i32>} : memref<640xf32, #tpu.memory_space<vmem>>, vector<16xf32>,
    %swap3A_209 = vector.shape_cast %swap3A_208 : vector<16xf32> to vector<16xf32>
    %swap3A_210 = vector.shape_cast %broadcast_in_dim3A_206 : vector<16xf32> to vector<16xf32>
    tpu.vector_store %arg14[%swap3A_207], %swap3A_210 {strides = array<i32>} : memref<640xf32, #tpu.memory_space<vmem>>, vector<16xf32>,
    %broadcast_in_dim3A_211 = arith.constant 0.000000e+00 : f32
    %broadcast_in_dim3A_212 = vector.broadcast %broadcast_in_dim3A_211 : f32 to vector<16xf32>
    %swap3A_213 = arith.constant 432 : index
    %swap3A_214 = tpu.vector_load %arg14[%swap3A_213] {strides = array<i32>} : memref<640xf32, #tpu.memory_space<vmem>>, vector<16xf32>,
    %swap3A_215 = vector.shape_cast %swap3A_214 : vector<16xf32> to vector<16xf32>
    %swap3A_216 = vector.shape_cast %broadcast_in_dim3A_212 : vector<16xf32> to vector<16xf32>
    tpu.vector_store %arg14[%swap3A_213], %swap3A_216 {strides = array<i32>} : memref<640xf32, #tpu.memory_space<vmem>>, vector<16xf32>,
    %broadcast_in_dim3A_217 = arith.constant 0.000000e+00 : f32
    %broadcast_in_dim3A_218 = vector.broadcast %broadcast_in_dim3A_217 : f32 to vector<16xf32>
    %swap3A_219 = arith.constant 448 : index
    %swap3A_220 = tpu.vector_load %arg14[%swap3A_219] {strides = array<i32>} : memref<640xf32, #tpu.memory_space<vmem>>, vector<16xf32>,
    %swap3A_221 = vector.shape_cast %swap3A_220 : vector<16xf32> to vector<16xf32>
    %swap3A_222 = vector.shape_cast %broadcast_in_dim3A_218 : vector<16xf32> to vector<16xf32>
    tpu.vector_store %arg14[%swap3A_219], %swap3A_222 {strides = array<i32>} : memref<640xf32, #tpu.memory_space<vmem>>, vector<16xf32>,
    %broadcast_in_dim3A_223 = arith.constant 0.000000e+00 : f32
    %broadcast_in_dim3A_224 = vector.broadcast %broadcast_in_dim3A_223 : f32 to vector<16xf32>
    %swap3A_225 = arith.constant 464 : index
    %swap3A_226 = tpu.vector_load %arg14[%swap3A_225] {strides = array<i32>} : memref<640xf32, #tpu.memory_space<vmem>>, vector<16xf32>,
    %swap3A_227 = vector.shape_cast %swap3A_226 : vector<16xf32> to vector<16xf32>
    %swap3A_228 = vector.shape_cast %broadcast_in_dim3A_224 : vector<16xf32> to vector<16xf32>
    tpu.vector_store %arg14[%swap3A_225], %swap3A_228 {strides = array<i32>} : memref<640xf32, #tpu.memory_space<vmem>>, vector<16xf32>,
    %broadcast_in_dim3A_229 = arith.constant 0.000000e+00 : f32
    %broadcast_in_dim3A_230 = vector.broadcast %broadcast_in_dim3A_229 : f32 to vector<16xf32>
    %swap3A_231 = arith.constant 480 : index
    %swap3A_232 = tpu.vector_load %arg14[%swap3A_231] {strides = array<i32>} : memref<640xf32, #tpu.memory_space<vmem>>, vector<16xf32>,
    %swap3A_233 = vector.shape_cast %swap3A_232 : vector<16xf32> to vector<16xf32>
    %swap3A_234 = vector.shape_cast %broadcast_in_dim3A_230 : vector<16xf32> to vector<16xf32>
    tpu.vector_store %arg14[%swap3A_231], %swap3A_234 {strides = array<i32>} : memref<640xf32, #tpu.memory_space<vmem>>, vector<16xf32>,
    %broadcast_in_dim3A_235 = arith.constant 0.000000e+00 : f32
    %broadcast_in_dim3A_236 = vector.broadcast %broadcast_in_dim3A_235 : f32 to vector<16xf32>
    %swap3A_237 = arith.constant 496 : index
    %swap3A_238 = tpu.vector_load %arg14[%swap3A_237] {strides = array<i32>} : memref<640xf32, #tpu.memory_space<vmem>>, vector<16xf32>,
    %swap3A_239 = vector.shape_cast %swap3A_238 : vector<16xf32> to vector<16xf32>
    %swap3A_240 = vector.shape_cast %broadcast_in_dim3A_236 : vector<16xf32> to vector<16xf32>
    tpu.vector_store %arg14[%swap3A_237], %swap3A_240 {strides = array<i32>} : memref<640xf32, #tpu.memory_space<vmem>>, vector<16xf32>,
    %broadcast_in_dim3A_241 = arith.constant 0.000000e+00 : f32
    %broadcast_in_dim3A_242 = vector.broadcast %broadcast_in_dim3A_241 : f32 to vector<16xf32>
    %swap3A_243 = arith.constant 512 : index
    %swap3A_244 = tpu.vector_load %arg14[%swap3A_243] {strides = array<i32>} : memref<640xf32, #tpu.memory_space<vmem>>, vector<16xf32>,
    %swap3A_245 = vector.shape_cast %swap3A_244 : vector<16xf32> to vector<16xf32>
    %swap3A_246 = vector.shape_cast %broadcast_in_dim3A_242 : vector<16xf32> to vector<16xf32>
    tpu.vector_store %arg14[%swap3A_243], %swap3A_246 {strides = array<i32>} : memref<640xf32, #tpu.memory_space<vmem>>, vector<16xf32>,
    %broadcast_in_dim3A_247 = arith.constant 0.000000e+00 : f32
    %broadcast_in_dim3A_248 = vector.broadcast %broadcast_in_dim3A_247 : f32 to vector<16xf32>
    %swap3A_249 = arith.constant 528 : index
    %swap3A_250 = tpu.vector_load %arg14[%swap3A_249] {strides = array<i32>} : memref<640xf32, #tpu.memory_space<vmem>>, vector<16xf32>,
    %swap3A_251 = vector.shape_cast %swap3A_250 : vector<16xf32> to vector<16xf32>
    %swap3A_252 = vector.shape_cast %broadcast_in_dim3A_248 : vector<16xf32> to vector<16xf32>
    tpu.vector_store %arg14[%swap3A_249], %swap3A_252 {strides = array<i32>} : memref<640xf32, #tpu.memory_space<vmem>>, vector<16xf32>,
    %broadcast_in_dim3A_253 = arith.constant 0.000000e+00 : f32
    %broadcast_in_dim3A_254 = vector.broadcast %broadcast_in_dim3A_253 : f32 to vector<16xf32>
    %swap3A_255 = arith.constant 544 : index
    %swap3A_256 = tpu.vector_load %arg14[%swap3A_255] {strides = array<i32>} : memref<640xf32, #tpu.memory_space<vmem>>, vector<16xf32>,
    %swap3A_257 = vector.shape_cast %swap3A_256 : vector<16xf32> to vector<16xf32>
    %swap3A_258 = vector.shape_cast %broadcast_in_dim3A_254 : vector<16xf32> to vector<16xf32>
    tpu.vector_store %arg14[%swap3A_255], %swap3A_258 {strides = array<i32>} : memref<640xf32, #tpu.memory_space<vmem>>, vector<16xf32>,
    %broadcast_in_dim3A_259 = arith.constant 0.000000e+00 : f32
    %broadcast_in_dim3A_260 = vector.broadcast %broadcast_in_dim3A_259 : f32 to vector<16xf32>
    %swap3A_261 = arith.constant 560 : index
    %swap3A_262 = tpu.vector_load %arg14[%swap3A_261] {strides = array<i32>} : memref<640xf32, #tpu.memory_space<vmem>>, vector<16xf32>,
    %swap3A_263 = vector.shape_cast %swap3A_262 : vector<16xf32> to vector<16xf32>
    %swap3A_264 = vector.shape_cast %broadcast_in_dim3A_260 : vector<16xf32> to vector<16xf32>
    tpu.vector_store %arg14[%swap3A_261], %swap3A_264 {strides = array<i32>} : memref<640xf32, #tpu.memory_space<vmem>>, vector<16xf32>,
    %broadcast_in_dim3A_265 = arith.constant 0.000000e+00 : f32
    %broadcast_in_dim3A_266 = vector.broadcast %broadcast_in_dim3A_265 : f32 to vector<16xf32>
    %swap3A_267 = arith.constant 576 : index
    %swap3A_268 = tpu.vector_load %arg14[%swap3A_267] {strides = array<i32>} : memref<640xf32, #tpu.memory_space<vmem>>, vector<16xf32>,
    %swap3A_269 = vector.shape_cast %swap3A_268 : vector<16xf32> to vector<16xf32>
    %swap3A_270 = vector.shape_cast %broadcast_in_dim3A_266 : vector<16xf32> to vector<16xf32>
    tpu.vector_store %arg14[%swap3A_267], %swap3A_270 {strides = array<i32>} : memref<640xf32, #tpu.memory_space<vmem>>, vector<16xf32>,
    %broadcast_in_dim3A_271 = arith.constant 0.000000e+00 : f32
    %broadcast_in_dim3A_272 = vector.broadcast %broadcast_in_dim3A_271 : f32 to vector<16xf32>
    %swap3A_273 = arith.constant 592 : index
    %swap3A_274 = tpu.vector_load %arg14[%swap3A_273] {strides = array<i32>} : memref<640xf32, #tpu.memory_space<vmem>>, vector<16xf32>,
    %swap3A_275 = vector.shape_cast %swap3A_274 : vector<16xf32> to vector<16xf32>
    %swap3A_276 = vector.shape_cast %broadcast_in_dim3A_272 : vector<16xf32> to vector<16xf32>
    tpu.vector_store %arg14[%swap3A_273], %swap3A_276 {strides = array<i32>} : memref<640xf32, #tpu.memory_space<vmem>>, vector<16xf32>,
    %broadcast_in_dim3A_277 = arith.constant 0.000000e+00 : f32
    %broadcast_in_dim3A_278 = vector.broadcast %broadcast_in_dim3A_277 : f32 to vector<16xf32>
    %swap3A_279 = arith.constant 608 : index
    %swap3A_280 = tpu.vector_load %arg14[%swap3A_279] {strides = array<i32>} : memref<640xf32, #tpu.memory_space<vmem>>, vector<16xf32>,
    %swap3A_281 = vector.shape_cast %swap3A_280 : vector<16xf32> to vector<16xf32>
    %swap3A_282 = vector.shape_cast %broadcast_in_dim3A_278 : vector<16xf32> to vector<16xf32>
    tpu.vector_store %arg14[%swap3A_279], %swap3A_282 {strides = array<i32>} : memref<640xf32, #tpu.memory_space<vmem>>, vector<16xf32>,
    %broadcast_in_dim3A_283 = arith.constant 0.000000e+00 : f32
    %broadcast_in_dim3A_284 = vector.broadcast %broadcast_in_dim3A_283 : f32 to vector<16xf32>
    %swap3A_285 = arith.constant 624 : index
    %swap3A_286 = tpu.vector_load %arg14[%swap3A_285] {strides = array<i32>} : memref<640xf32, #tpu.memory_space<vmem>>, vector<16xf32>,
    %swap3A_287 = vector.shape_cast %swap3A_286 : vector<16xf32> to vector<16xf32>
    %swap3A_288 = vector.shape_cast %broadcast_in_dim3A_284 : vector<16xf32> to vector<16xf32>
    tpu.vector_store %arg14[%swap3A_285], %swap3A_288 {strides = array<i32>} : memref<640xf32, #tpu.memory_space<vmem>>, vector<16xf32>,
    "tpu.region"() ({
      %run_scoped3A = tpu.sem_alloc : memref<!tpu.dma_semaphore, #tpu.memory_space<semaphore_mem>>
      %dma_start3A = tpu.memref_slice %arg15[%mul3A_2] : memref<10240xf32, #tpu.memory_space<vmem_shared>> -> memref<640xf32, #tpu.memory_space<vmem_shared>>
      %dma_start3A_297 = tpu.memref_slice %arg15[%mul3A_2] : memref<10240xf32, #tpu.memory_space<vmem_shared>> -> memref<640xf32, #tpu.memory_space<vmem_shared>>
      tpu.enqueue_dma source(%arg14 : memref<640xf32, #tpu.memory_space<vmem>>) target(%dma_start3A_297 : memref<640xf32, #tpu.memory_space<vmem_shared>>) target_semaphore(%run_scoped3A : memref<!tpu.dma_semaphore, #tpu.memory_space<semaphore_mem>>)
      %dma_wait3A = tpu.memref_slice %arg15[%mul3A_2] : memref<10240xf32, #tpu.memory_space<vmem_shared>> -> memref<640xf32, #tpu.memory_space<vmem_shared>>
      %dma_wait3A_298 = tpu.memref_slice %arg15[%mul3A_2] : memref<10240xf32, #tpu.memory_space<vmem_shared>> -> memref<640xf32, #tpu.memory_space<vmem_shared>>
      tpu.wait_dma2 semaphore(%run_scoped3A : memref<!tpu.dma_semaphore, #tpu.memory_space<semaphore_mem>>) src(%arg14 : memref<640xf32, #tpu.memory_space<vmem>>) dst(%dma_wait3A_298 : memref<640xf32, #tpu.memory_space<vmem_shared>>)
      tpu.yield
    }) : () -> ()
    "tpu.region"() ({
      %run_scoped3A = tpu.sem_alloc : memref<!tpu.dma_semaphore, #tpu.memory_space<semaphore_mem>>
      %dma_start3A = arith.constant 0 : i32
      %dma_start3A_297 = tpu.memref_slice %arg11[%mul3A_2, %dma_start3A] : memref<10240x128xf32, #tpu.memory_space<vmem_shared>> -> memref<640x128xf32, #tpu.memory_space<vmem_shared>>
      %dma_start3A_298 = arith.constant 0 : i32
      %dma_start3A_299 = tpu.memref_slice %arg5[%mul3A_2, %dma_start3A_298] : memref<10240x128xf32, #tpu.memory_space<hbm>> -> memref<640x128xf32, #tpu.memory_space<hbm>>
      tpu.enqueue_dma source(%dma_start3A_299 : memref<640x128xf32, #tpu.memory_space<hbm>>) target(%dma_start3A_297 : memref<640x128xf32, #tpu.memory_space<vmem_shared>>) target_semaphore(%run_scoped3A : memref<!tpu.dma_semaphore, #tpu.memory_space<semaphore_mem>>)
      %dma_wait3A = arith.constant 0 : i32
      %dma_wait3A_300 = tpu.memref_slice %arg11[%mul3A_2, %dma_wait3A] : memref<10240x128xf32, #tpu.memory_space<vmem_shared>> -> memref<640x128xf32, #tpu.memory_space<vmem_shared>>
      %dma_wait3A_301 = arith.constant 0 : i32
      %dma_wait3A_302 = tpu.memref_slice %arg5[%mul3A_2, %dma_wait3A_301] : memref<10240x128xf32, #tpu.memory_space<hbm>> -> memref<640x128xf32, #tpu.memory_space<hbm>>
      tpu.wait_dma2 semaphore(%run_scoped3A : memref<!tpu.dma_semaphore, #tpu.memory_space<semaphore_mem>>) src(%dma_wait3A_302 : memref<640x128xf32, #tpu.memory_space<hbm>>) dst(%dma_wait3A_300 : memref<640x128xf32, #tpu.memory_space<vmem_shared>>)
      tpu.yield
    }) : () -> ()
    "tpu.region"() ({
      %run_scoped3A = tpu.sem_alloc : memref<!tpu.dma_semaphore, #tpu.memory_space<semaphore_mem>>
      %dma_start3A = arith.constant 0 : i32
      %dma_start3A_297 = arith.constant 0 : i32
      %dma_start3A_298 = tpu.memref_slice %arg3[%add3A, %dma_start3A, %dma_start3A_297] : memref<32x107x128xi32, #tpu.memory_space<hbm>> -> memref<1x107x128xi32, #tpu.memory_space<hbm>>
      %dma_start3A_299 = tpu.memref_squeeze %dma_start3A_298 : memref<1x107x128xi32, #tpu.memory_space<hbm>> -> memref<107x128xi32, #tpu.memory_space<hbm>>
      %dma_start3A_300 = arith.constant 0 : i32
      %dma_start3A_301 = arith.constant 0 : i32
      %dma_start3A_302 = tpu.memref_slice %arg3[%add3A, %dma_start3A_300, %dma_start3A_301] : memref<32x107x128xi32, #tpu.memory_space<hbm>> -> memref<1x107x128xi32, #tpu.memory_space<hbm>>
      %dma_start3A_303 = tpu.memref_squeeze %dma_start3A_302 : memref<1x107x128xi32, #tpu.memory_space<hbm>> -> memref<107x128xi32, #tpu.memory_space<hbm>>
      tpu.enqueue_dma source(%dma_start3A_303 : memref<107x128xi32, #tpu.memory_space<hbm>>) target(%arg8 : memref<107x128xi32, #tpu.memory_space<vmem>>) target_semaphore(%run_scoped3A : memref<!tpu.dma_semaphore, #tpu.memory_space<semaphore_mem>>)
      %dma_wait3A = arith.constant 0 : i32
      %dma_wait3A_304 = arith.constant 0 : i32
      %dma_wait3A_305 = tpu.memref_slice %arg3[%add3A, %dma_wait3A, %dma_wait3A_304] : memref<32x107x128xi32, #tpu.memory_space<hbm>> -> memref<1x107x128xi32, #tpu.memory_space<hbm>>
      %dma_wait3A_306 = tpu.memref_squeeze %dma_wait3A_305 : memref<1x107x128xi32, #tpu.memory_space<hbm>> -> memref<107x128xi32, #tpu.memory_space<hbm>>
      %dma_wait3A_307 = arith.constant 0 : i32
      %dma_wait3A_308 = arith.constant 0 : i32
      %dma_wait3A_309 = tpu.memref_slice %arg3[%add3A, %dma_wait3A_307, %dma_wait3A_308] : memref<32x107x128xi32, #tpu.memory_space<hbm>> -> memref<1x107x128xi32, #tpu.memory_space<hbm>>
      %dma_wait3A_310 = tpu.memref_squeeze %dma_wait3A_309 : memref<1x107x128xi32, #tpu.memory_space<hbm>> -> memref<107x128xi32, #tpu.memory_space<hbm>>
      tpu.wait_dma2 semaphore(%run_scoped3A : memref<!tpu.dma_semaphore, #tpu.memory_space<semaphore_mem>>) src(%dma_wait3A_310 : memref<107x128xi32, #tpu.memory_space<hbm>>) dst(%arg8 : memref<107x128xi32, #tpu.memory_space<vmem>>)
      tpu.yield
    }) : () -> ()
    "tpu.region"() ({
      %run_scoped3A = tpu.sem_alloc : memref<!tpu.dma_semaphore, #tpu.memory_space<semaphore_mem>>
      %dma_start3A = arith.constant 0 : i32
      %dma_start3A_297 = arith.constant 0 : i32
      %dma_start3A_298 = tpu.memref_slice %arg4[%add3A, %dma_start3A, %dma_start3A_297] : memref<32x107x128xi32, #tpu.memory_space<hbm>> -> memref<1x107x128xi32, #tpu.memory_space<hbm>>
      %dma_start3A_299 = tpu.memref_squeeze %dma_start3A_298 : memref<1x107x128xi32, #tpu.memory_space<hbm>> -> memref<107x128xi32, #tpu.memory_space<hbm>>
      %dma_start3A_300 = arith.constant 0 : i32
      %dma_start3A_301 = arith.constant 0 : i32
      %dma_start3A_302 = tpu.memref_slice %arg4[%add3A, %dma_start3A_300, %dma_start3A_301] : memref<32x107x128xi32, #tpu.memory_space<hbm>> -> memref<1x107x128xi32, #tpu.memory_space<hbm>>
      %dma_start3A_303 = tpu.memref_squeeze %dma_start3A_302 : memref<1x107x128xi32, #tpu.memory_space<hbm>> -> memref<107x128xi32, #tpu.memory_space<hbm>>
      tpu.enqueue_dma source(%dma_start3A_303 : memref<107x128xi32, #tpu.memory_space<hbm>>) target(%arg9 : memref<107x128xi32, #tpu.memory_space<vmem>>) target_semaphore(%run_scoped3A : memref<!tpu.dma_semaphore, #tpu.memory_space<semaphore_mem>>)
      %dma_wait3A = arith.constant 0 : i32
      %dma_wait3A_304 = arith.constant 0 : i32
      %dma_wait3A_305 = tpu.memref_slice %arg4[%add3A, %dma_wait3A, %dma_wait3A_304] : memref<32x107x128xi32, #tpu.memory_space<hbm>> -> memref<1x107x128xi32, #tpu.memory_space<hbm>>
      %dma_wait3A_306 = tpu.memref_squeeze %dma_wait3A_305 : memref<1x107x128xi32, #tpu.memory_space<hbm>> -> memref<107x128xi32, #tpu.memory_space<hbm>>
      %dma_wait3A_307 = arith.constant 0 : i32
      %dma_wait3A_308 = arith.constant 0 : i32
      %dma_wait3A_309 = tpu.memref_slice %arg4[%add3A, %dma_wait3A_307, %dma_wait3A_308] : memref<32x107x128xi32, #tpu.memory_space<hbm>> -> memref<1x107x128xi32, #tpu.memory_space<hbm>>
      %dma_wait3A_310 = tpu.memref_squeeze %dma_wait3A_309 : memref<1x107x128xi32, #tpu.memory_space<hbm>> -> memref<107x128xi32, #tpu.memory_space<hbm>>
      tpu.wait_dma2 semaphore(%run_scoped3A : memref<!tpu.dma_semaphore, #tpu.memory_space<semaphore_mem>>) src(%dma_wait3A_310 : memref<107x128xi32, #tpu.memory_space<hbm>>) dst(%arg9 : memref<107x128xi32, #tpu.memory_space<vmem>>)
      tpu.yield
    }) : () -> ()
    %barrier3A = arith.constant 0 : index
    tpu.barrier barrier_id(%barrier3A)
    %eq3A = arith.constant 0 : i32
    %eq3A_289 = arith.cmpi eq, %arg0, %eq3A : i32
    %convert_element_type3A = arith.extui %eq3A_289 : i1 to i32
    %cond3A = arith.constant 0 : i32
    %cond3A_290 = arith.cmpi ne, %convert_element_type3A, %cond3A : i32
    scf.if %cond3A_290 {
      %scan3A = arith.constant 0 : i32
      %scan3A_297 = arith.constant 0 : i32
      %scan3A_298 = arith.constant 107 : i32
      %scan3A_299 = arith.addi %scan3A_297, %scan3A_298 : i32
      %scan3A_300 = arith.constant 1 : i32
      scf.for %scan3A_302 = %scan3A_297 to %scan3A_299 step %scan3A_300  : i32 {
        %dma_start3A = arith.constant 0 : i32
        %dma_start3A_303 = tpu.memref_slice %arg8[%scan3A_302, %dma_start3A] : memref<107x128xi32, #tpu.memory_space<vmem>> -> memref<1x128xi32, #tpu.memory_space<vmem>>
        %dma_start3A_304 = tpu.memref_squeeze %dma_start3A_303 : memref<1x128xi32, #tpu.memory_space<vmem>> -> memref<128xi32, #tpu.memory_space<vmem>>
        %dma_start3A_305 = arith.constant 0 : i32
        %dma_start3A_306 = arith.constant 0 : i32
        %dma_start3A_307 = tpu.memref_slice %arg2[%dma_start3A_305, %dma_start3A_306] : memref<10000x128xf32, #tpu.memory_space<hbm>> -> memref<10000x128xf32, #tpu.memory_space<hbm>>
        tpu.enqueue_indirect_dma source(%dma_start3A_307 : memref<10000x128xf32, #tpu.memory_space<hbm>>) target(%arg10 : memref<128x128xf32, #tpu.memory_space<vmem>>) offsets(%dma_start3A_304 : memref<128xi32, #tpu.memory_space<vmem>>) semaphore(%arg12 : memref<!tpu.dma_semaphore, #tpu.memory_space<semaphore_mem>>)
        %dma_wait3A = arith.constant 0 : i32
        %dma_wait3A_308 = tpu.memref_slice %arg8[%scan3A_302, %dma_wait3A] : memref<107x128xi32, #tpu.memory_space<vmem>> -> memref<1x128xi32, #tpu.memory_space<vmem>>
        %dma_wait3A_309 = tpu.memref_squeeze %dma_wait3A_308 : memref<1x128xi32, #tpu.memory_space<vmem>> -> memref<128xi32, #tpu.memory_space<vmem>>
        %dma_wait3A_310 = arith.constant 0 : i32
        %dma_wait3A_311 = arith.constant 0 : i32
        %dma_wait3A_312 = tpu.memref_slice %arg2[%dma_wait3A_310, %dma_wait3A_311] : memref<10000x128xf32, #tpu.memory_space<hbm>> -> memref<10000x128xf32, #tpu.memory_space<hbm>>
        tpu.wait_indirect_dma semaphore(%arg12 : memref<!tpu.dma_semaphore, #tpu.memory_space<semaphore_mem>>) src(%dma_wait3A_312 : memref<10000x128xf32, #tpu.memory_space<hbm>>) dst(%arg10 : memref<128x128xf32, #tpu.memory_space<vmem>>)
        "tpu.region"() ({
          %run_scoped3A = tpu.sem_alloc : memref<!tpu.dma_semaphore, #tpu.memory_space<semaphore_mem>>
          %dma_start3A_313 = arith.constant 0 : i32
          %dma_start3A_314 = tpu.memref_slice %arg9[%scan3A_302, %dma_start3A_313] : memref<107x128xi32, #tpu.memory_space<vmem>> -> memref<1x128xi32, #tpu.memory_space<vmem>>
          %dma_start3A_315 = tpu.memref_squeeze %dma_start3A_314 : memref<1x128xi32, #tpu.memory_space<vmem>> -> memref<128xi32, #tpu.memory_space<vmem>>
          %dma_start3A_316 = arith.constant 0 : i32
          %dma_start3A_317 = arith.constant 0 : i32
          %dma_start3A_318 = tpu.memref_slice %arg11[%dma_start3A_316, %dma_start3A_317] : memref<10240x128xf32, #tpu.memory_space<vmem_shared>> -> memref<10240x128xf32, #tpu.memory_space<vmem_shared>>
          tpu.enqueue_indirect_dma source(%arg10 : memref<128x128xf32, #tpu.memory_space<vmem>>) target(%dma_start3A_318 : memref<10240x128xf32, #tpu.memory_space<vmem_shared>>) offsets(%dma_start3A_315 : memref<128xi32, #tpu.memory_space<vmem>>) semaphore(%run_scoped3A : memref<!tpu.dma_semaphore, #tpu.memory_space<semaphore_mem>>) {add = true}
          %dma_wait3A_319 = arith.constant 0 : i32
          %dma_wait3A_320 = tpu.memref_slice %arg9[%scan3A_302, %dma_wait3A_319] : memref<107x128xi32, #tpu.memory_space<vmem>> -> memref<1x128xi32, #tpu.memory_space<vmem>>
          %dma_wait3A_321 = tpu.memref_squeeze %dma_wait3A_320 : memref<1x128xi32, #tpu.memory_space<vmem>> -> memref<128xi32, #tpu.memory_space<vmem>>
          %dma_wait3A_322 = arith.constant 0 : i32
          %dma_wait3A_323 = arith.constant 0 : i32
          %dma_wait3A_324 = tpu.memref_slice %arg11[%dma_wait3A_322, %dma_wait3A_323] : memref<10240x128xf32, #tpu.memory_space<vmem_shared>> -> memref<10240x128xf32, #tpu.memory_space<vmem_shared>>
          tpu.wait_indirect_dma semaphore(%run_scoped3A : memref<!tpu.dma_semaphore, #tpu.memory_space<semaphore_mem>>) src(%arg10 : memref<128x128xf32, #tpu.memory_space<vmem>>) dst(%dma_wait3A_324 : memref<10240x128xf32, #tpu.memory_space<vmem_shared>>)
          tpu.yield
        }) : () -> ()
        "tpu.region"() ({
          %run_scoped3A = tpu.sem_alloc : memref<!tpu.dma_semaphore, #tpu.memory_space<semaphore_mem>>
          %dma_start3A_313 = arith.constant 0 : i32
          %dma_start3A_314 = tpu.memref_slice %arg9[%scan3A_302, %dma_start3A_313] : memref<107x128xi32, #tpu.memory_space<vmem>> -> memref<1x128xi32, #tpu.memory_space<vmem>>
          %dma_start3A_315 = tpu.memref_squeeze %dma_start3A_314 : memref<1x128xi32, #tpu.memory_space<vmem>> -> memref<128xi32, #tpu.memory_space<vmem>>
          %dma_start3A_316 = arith.constant 0 : i32
          %dma_start3A_317 = tpu.memref_slice %arg15[%dma_start3A_316] : memref<10240xf32, #tpu.memory_space<vmem_shared>> -> memref<10240xf32, #tpu.memory_space<vmem_shared>>
          tpu.enqueue_indirect_dma source(%arg13 : memref<128xf32, #tpu.memory_space<vmem>>) target(%dma_start3A_317 : memref<10240xf32, #tpu.memory_space<vmem_shared>>) offsets(%dma_start3A_315 : memref<128xi32, #tpu.memory_space<vmem>>) semaphore(%run_scoped3A : memref<!tpu.dma_semaphore, #tpu.memory_space<semaphore_mem>>) {add = true}
          %dma_wait3A_318 = arith.constant 0 : i32
          %dma_wait3A_319 = tpu.memref_slice %arg9[%scan3A_302, %dma_wait3A_318] : memref<107x128xi32, #tpu.memory_space<vmem>> -> memref<1x128xi32, #tpu.memory_space<vmem>>
          %dma_wait3A_320 = tpu.memref_squeeze %dma_wait3A_319 : memref<1x128xi32, #tpu.memory_space<vmem>> -> memref<128xi32, #tpu.memory_space<vmem>>
          %dma_wait3A_321 = arith.constant 0 : i32
          %dma_wait3A_322 = tpu.memref_slice %arg15[%dma_wait3A_321] : memref<10240xf32, #tpu.memory_space<vmem_shared>> -> memref<10240xf32, #tpu.memory_space<vmem_shared>>
          tpu.wait_indirect_dma semaphore(%run_scoped3A : memref<!tpu.dma_semaphore, #tpu.memory_space<semaphore_mem>>) src(%arg13 : memref<128xf32, #tpu.memory_space<vmem>>) dst(%dma_wait3A_322 : memref<10240xf32, #tpu.memory_space<vmem_shared>>)
          tpu.yield
        }) : () -> ()
      }
      %scan3A_301 = arith.constant 107 : i32
    } else {
    }
    %eq3A_291 = arith.constant 1 : i32
    %eq3A_292 = arith.cmpi eq, %arg0, %eq3A_291 : i32
    %convert_element_type3A_293 = arith.extui %eq3A_292 : i1 to i32
    %cond3A_294 = arith.constant 0 : i32
    %cond3A_295 = arith.cmpi ne, %convert_element_type3A_293, %cond3A_294 : i32
    scf.if %cond3A_295 {
      %scan3A = arith.constant 0 : i32
      %scan3A_297 = arith.constant 0 : i32
      %scan3A_298 = arith.constant 51 : i32
      %scan3A_299 = arith.addi %scan3A_297, %scan3A_298 : i32
      %scan3A_300 = arith.constant 1 : i32
      scf.for %scan3A_302 = %scan3A_297 to %scan3A_299 step %scan3A_300  : i32 {
        %dma_start3A = arith.constant 0 : i32
        %dma_start3A_303 = tpu.memref_slice %arg8[%scan3A_302, %dma_start3A] : memref<107x128xi32, #tpu.memory_space<vmem>> -> memref<1x128xi32, #tpu.memory_space<vmem>>
        %dma_start3A_304 = tpu.memref_squeeze %dma_start3A_303 : memref<1x128xi32, #tpu.memory_space<vmem>> -> memref<128xi32, #tpu.memory_space<vmem>>
        %dma_start3A_305 = arith.constant 0 : i32
        %dma_start3A_306 = arith.constant 0 : i32
        %dma_start3A_307 = tpu.memref_slice %arg2[%dma_start3A_305, %dma_start3A_306] : memref<10000x128xf32, #tpu.memory_space<hbm>> -> memref<10000x128xf32, #tpu.memory_space<hbm>>
        tpu.enqueue_indirect_dma source(%dma_start3A_307 : memref<10000x128xf32, #tpu.memory_space<hbm>>) target(%arg10 : memref<128x128xf32, #tpu.memory_space<vmem>>) offsets(%dma_start3A_304 : memref<128xi32, #tpu.memory_space<vmem>>) semaphore(%arg12 : memref<!tpu.dma_semaphore, #tpu.memory_space<semaphore_mem>>)
        %dma_wait3A = arith.constant 0 : i32
        %dma_wait3A_308 = tpu.memref_slice %arg8[%scan3A_302, %dma_wait3A] : memref<107x128xi32, #tpu.memory_space<vmem>> -> memref<1x128xi32, #tpu.memory_space<vmem>>
        %dma_wait3A_309 = tpu.memref_squeeze %dma_wait3A_308 : memref<1x128xi32, #tpu.memory_space<vmem>> -> memref<128xi32, #tpu.memory_space<vmem>>
        %dma_wait3A_310 = arith.constant 0 : i32
        %dma_wait3A_311 = arith.constant 0 : i32
        %dma_wait3A_312 = tpu.memref_slice %arg2[%dma_wait3A_310, %dma_wait3A_311] : memref<10000x128xf32, #tpu.memory_space<hbm>> -> memref<10000x128xf32, #tpu.memory_space<hbm>>
        tpu.wait_indirect_dma semaphore(%arg12 : memref<!tpu.dma_semaphore, #tpu.memory_space<semaphore_mem>>) src(%dma_wait3A_312 : memref<10000x128xf32, #tpu.memory_space<hbm>>) dst(%arg10 : memref<128x128xf32, #tpu.memory_space<vmem>>)
        "tpu.region"() ({
          %run_scoped3A = tpu.sem_alloc : memref<!tpu.dma_semaphore, #tpu.memory_space<semaphore_mem>>
          %dma_start3A_313 = arith.constant 0 : i32
          %dma_start3A_314 = tpu.memref_slice %arg9[%scan3A_302, %dma_start3A_313] : memref<107x128xi32, #tpu.memory_space<vmem>> -> memref<1x128xi32, #tpu.memory_space<vmem>>
          %dma_start3A_315 = tpu.memref_squeeze %dma_start3A_314 : memref<1x128xi32, #tpu.memory_space<vmem>> -> memref<128xi32, #tpu.memory_space<vmem>>
          %dma_start3A_316 = arith.constant 0 : i32
          %dma_start3A_317 = arith.constant 0 : i32
          %dma_start3A_318 = tpu.memref_slice %arg11[%dma_start3A_316, %dma_start3A_317] : memref<10240x128xf32, #tpu.memory_space<vmem_shared>> -> memref<10240x128xf32, #tpu.memory_space<vmem_shared>>
          tpu.enqueue_indirect_dma source(%arg10 : memref<128x128xf32, #tpu.memory_space<vmem>>) target(%dma_start3A_318 : memref<10240x128xf32, #tpu.memory_space<vmem_shared>>) offsets(%dma_start3A_315 : memref<128xi32, #tpu.memory_space<vmem>>) semaphore(%run_scoped3A : memref<!tpu.dma_semaphore, #tpu.memory_space<semaphore_mem>>) {add = true}
          %dma_wait3A_319 = arith.constant 0 : i32
          %dma_wait3A_320 = tpu.memref_slice %arg9[%scan3A_302, %dma_wait3A_319] : memref<107x128xi32, #tpu.memory_space<vmem>> -> memref<1x128xi32, #tpu.memory_space<vmem>>
          %dma_wait3A_321 = tpu.memref_squeeze %dma_wait3A_320 : memref<1x128xi32, #tpu.memory_space<vmem>> -> memref<128xi32, #tpu.memory_space<vmem>>
          %dma_wait3A_322 = arith.constant 0 : i32
          %dma_wait3A_323 = arith.constant 0 : i32
          %dma_wait3A_324 = tpu.memref_slice %arg11[%dma_wait3A_322, %dma_wait3A_323] : memref<10240x128xf32, #tpu.memory_space<vmem_shared>> -> memref<10240x128xf32, #tpu.memory_space<vmem_shared>>
          tpu.wait_indirect_dma semaphore(%run_scoped3A : memref<!tpu.dma_semaphore, #tpu.memory_space<semaphore_mem>>) src(%arg10 : memref<128x128xf32, #tpu.memory_space<vmem>>) dst(%dma_wait3A_324 : memref<10240x128xf32, #tpu.memory_space<vmem_shared>>)
          tpu.yield
        }) : () -> ()
        "tpu.region"() ({
          %run_scoped3A = tpu.sem_alloc : memref<!tpu.dma_semaphore, #tpu.memory_space<semaphore_mem>>
          %dma_start3A_313 = arith.constant 0 : i32
          %dma_start3A_314 = tpu.memref_slice %arg9[%scan3A_302, %dma_start3A_313] : memref<107x128xi32, #tpu.memory_space<vmem>> -> memref<1x128xi32, #tpu.memory_space<vmem>>
          %dma_start3A_315 = tpu.memref_squeeze %dma_start3A_314 : memref<1x128xi32, #tpu.memory_space<vmem>> -> memref<128xi32, #tpu.memory_space<vmem>>
          %dma_start3A_316 = arith.constant 0 : i32
          %dma_start3A_317 = tpu.memref_slice %arg15[%dma_start3A_316] : memref<10240xf32, #tpu.memory_space<vmem_shared>> -> memref<10240xf32, #tpu.memory_space<vmem_shared>>
          tpu.enqueue_indirect_dma source(%arg13 : memref<128xf32, #tpu.memory_space<vmem>>) target(%dma_start3A_317 : memref<10240xf32, #tpu.memory_space<vmem_shared>>) offsets(%dma_start3A_315 : memref<128xi32, #tpu.memory_space<vmem>>) semaphore(%run_scoped3A : memref<!tpu.dma_semaphore, #tpu.memory_space<semaphore_mem>>) {add = true}
          %dma_wait3A_318 = arith.constant 0 : i32
          %dma_wait3A_319 = tpu.memref_slice %arg9[%scan3A_302, %dma_wait3A_318] : memref<107x128xi32, #tpu.memory_space<vmem>> -> memref<1x128xi32, #tpu.memory_space<vmem>>
          %dma_wait3A_320 = tpu.memref_squeeze %dma_wait3A_319 : memref<1x128xi32, #tpu.memory_space<vmem>> -> memref<128xi32, #tpu.memory_space<vmem>>
          %dma_wait3A_321 = arith.constant 0 : i32
          %dma_wait3A_322 = tpu.memref_slice %arg15[%dma_wait3A_321] : memref<10240xf32, #tpu.memory_space<vmem_shared>> -> memref<10240xf32, #tpu.memory_space<vmem_shared>>
          tpu.wait_indirect_dma semaphore(%run_scoped3A : memref<!tpu.dma_semaphore, #tpu.memory_space<semaphore_mem>>) src(%arg13 : memref<128xf32, #tpu.memory_space<vmem>>) dst(%dma_wait3A_322 : memref<10240xf32, #tpu.memory_space<vmem_shared>>)
          tpu.yield
        }) : () -> ()
      }
      %scan3A_301 = arith.constant 51 : i32
    } else {
    }
    %barrier3A_296 = arith.constant 0 : index
    tpu.barrier barrier_id(%barrier3A_296)
    "tpu.region"() ({
      %run_scoped3A = tpu.sem_alloc : memref<!tpu.dma_semaphore, #tpu.memory_space<semaphore_mem>>
      %dma_start3A = arith.constant 0 : i32
      %dma_start3A_297 = tpu.memref_slice %arg6[%arg0, %mul3A_2, %dma_start3A] : memref<2x10240x128xf32, #tpu.memory_space<hbm>> -> memref<1x640x128xf32, #tpu.memory_space<hbm>>
      %dma_start3A_298 = tpu.memref_squeeze %dma_start3A_297 : memref<1x640x128xf32, #tpu.memory_space<hbm>> -> memref<640x128xf32, #tpu.memory_space<hbm>>
      %dma_start3A_299 = arith.constant 0 : i32
      %dma_start3A_300 = tpu.memref_slice %arg11[%mul3A_2, %dma_start3A_299] : memref<10240x128xf32, #tpu.memory_space<vmem_shared>> -> memref<640x128xf32, #tpu.memory_space<vmem_shared>>
      tpu.enqueue_dma source(%dma_start3A_300 : memref<640x128xf32, #tpu.memory_space<vmem_shared>>) target(%dma_start3A_298 : memref<640x128xf32, #tpu.memory_space<hbm>>) target_semaphore(%run_scoped3A : memref<!tpu.dma_semaphore, #tpu.memory_space<semaphore_mem>>)
      %dma_wait3A = arith.constant 0 : i32
      %dma_wait3A_301 = tpu.memref_slice %arg6[%arg0, %mul3A_2, %dma_wait3A] : memref<2x10240x128xf32, #tpu.memory_space<hbm>> -> memref<1x640x128xf32, #tpu.memory_space<hbm>>
      %dma_wait3A_302 = tpu.memref_squeeze %dma_wait3A_301 : memref<1x640x128xf32, #tpu.memory_space<hbm>> -> memref<640x128xf32, #tpu.memory_space<hbm>>
      %dma_wait3A_303 = arith.constant 0 : i32
      %dma_wait3A_304 = tpu.memref_slice %arg11[%mul3A_2, %dma_wait3A_303] : memref<10240x128xf32, #tpu.memory_space<vmem_shared>> -> memref<640x128xf32, #tpu.memory_space<vmem_shared>>
      tpu.wait_dma2 semaphore(%run_scoped3A : memref<!tpu.dma_semaphore, #tpu.memory_space<semaphore_mem>>) src(%dma_wait3A_304 : memref<640x128xf32, #tpu.memory_space<vmem_shared>>) dst(%dma_wait3A_302 : memref<640x128xf32, #tpu.memory_space<hbm>>)
      tpu.yield
    }) : () -> ()
    "tpu.region"() ({
      %run_scoped3A = tpu.sem_alloc : memref<!tpu.dma_semaphore, #tpu.memory_space<semaphore_mem>>
      %dma_start3A = tpu.memref_slice %arg7[%arg0, %mul3A_2] : memref<2x10240xf32, #tpu.memory_space<hbm>> -> memref<1x640xf32, #tpu.memory_space<hbm>>
      %dma_start3A_297 = tpu.memref_squeeze %dma_start3A : memref<1x640xf32, #tpu.memory_space<hbm>> -> memref<640xf32, #tpu.memory_space<hbm>>
      %dma_start3A_298 = tpu.memref_slice %arg15[%mul3A_2] : memref<10240xf32, #tpu.memory_space<vmem_shared>> -> memref<640xf32, #tpu.memory_space<vmem_shared>>
      tpu.enqueue_dma source(%dma_start3A_298 : memref<640xf32, #tpu.memory_space<vmem_shared>>) target(%dma_start3A_297 : memref<640xf32, #tpu.memory_space<hbm>>) target_semaphore(%run_scoped3A : memref<!tpu.dma_semaphore, #tpu.memory_space<semaphore_mem>>)
      %dma_wait3A = tpu.memref_slice %arg7[%arg0, %mul3A_2] : memref<2x10240xf32, #tpu.memory_space<hbm>> -> memref<1x640xf32, #tpu.memory_space<hbm>>
      %dma_wait3A_299 = tpu.memref_squeeze %dma_wait3A : memref<1x640xf32, #tpu.memory_space<hbm>> -> memref<640xf32, #tpu.memory_space<hbm>>
      %dma_wait3A_300 = tpu.memref_slice %arg15[%mul3A_2] : memref<10240xf32, #tpu.memory_space<vmem_shared>> -> memref<640xf32, #tpu.memory_space<vmem_shared>>
      tpu.wait_dma2 semaphore(%run_scoped3A : memref<!tpu.dma_semaphore, #tpu.memory_space<semaphore_mem>>) src(%dma_wait3A_300 : memref<640xf32, #tpu.memory_space<vmem_shared>>) dst(%dma_wait3A_299 : memref<640xf32, #tpu.memory_space<hbm>>)
      tpu.yield
    }) : () -> ()
    return
  }
}

module attributes {stable_mosaic.version = 14 : i64} {
  func.func @body(%arg0: i32, %arg1: memref<1000x128xf32, #tpu.memory_space<vmem>>, %arg2: memref<128x128xf32, #tpu.memory_space<vmem>>, %arg3: memref<1000x128xf32, #tpu.memory_space<vmem>>) attributes {dimension_semantics = [#tpu.dimension_semantics<arbitrary>], iteration_bounds = array<i64: 10>, scalar_prefetch = 0 : i64, scratch_operands = 0 : i64, tpu.core_type = #tpu.core_type<tc>, window_params = [{transform_indices = @transform_0, window_bounds = array<i64: 1000, 128>}, {pipeline_mode = #tpu.pipeline_mode<synchronous>, transform_indices = @transform_1, window_bounds = array<i64: 128, 128>}, {transform_indices = @transform_2, window_bounds = array<i64: 1000, 128>}]} {
    %get3A = arith.constant 0 : index
    %get3A_0 = arith.constant 0 : index
    %get3A_1 = vector.load %arg1[%get3A, %get3A_0] : memref<1000x128xf32, #tpu.memory_space<vmem>>, vector<1000x128xf32>
    %get3A_2 = arith.constant 0 : index
    %get3A_3 = arith.constant 0 : index
    %get3A_4 = vector.load %arg2[%get3A_2, %get3A_3] : memref<128x128xf32, #tpu.memory_space<vmem>>, vector<128x128xf32>
    %dot_general3A = arith.constant dense<0.000000e+00> : vector<1000x128xf32>
    %dot_general3A_5 = tpu.matmul %get3A_1, %get3A_4, %dot_general3A {dimension_numbers = #tpu.dot_dimension_numbers<[1], [0], [0], [1], [0, 0, 1, 1], [], []>, transpose_lhs_hint = false} : vector<1000x128xf32>, vector<128x128xf32>, vector<1000x128xf32> -> vector<1000x128xf32>
    %swap3A = arith.constant 0 : index
    %swap3A_6 = arith.constant 0 : index
    %swap3A_7 = vector.load %arg3[%swap3A, %swap3A_6] : memref<1000x128xf32, #tpu.memory_space<vmem>>, vector<1000x128xf32>
    tpu.vector_store %arg3[%swap3A, %swap3A_6], %dot_general3A_5 {strides = array<i32>} : memref<1000x128xf32, #tpu.memory_space<vmem>>, vector<1000x128xf32>,
    return
  }
  func.func @transform_0(%arg0: i32) -> (i32, i32) {
    %c0_i32 = arith.constant 0 : i32
    %c0_i32_0 = arith.constant 0 : i32
    return %arg0, %c0_i32 : i32, i32
  }
  func.func @transform_1(%arg0: i32) -> (i32, i32) {
    %c0_i32 = arith.constant 0 : i32
    %c0_i32_0 = arith.constant 0 : i32
    %c0_i32_1 = arith.constant 0 : i32
    return %c0_i32, %c0_i32_0 : i32, i32
  }
  func.func @transform_2(%arg0: i32) -> (i32, i32) {
    %c0_i32 = arith.constant 0 : i32
    %c0_i32_0 = arith.constant 0 : i32
    return %arg0, %c0_i32 : i32, i32
  }
}

module attributes {stable_mosaic.version = 14 : i64} {
  func.func @body(%arg0: i32, %arg1: memref<2x1000x128xf32, #tpu.memory_space<vmem>>, %arg2: memref<2x1000x1xf32, #tpu.memory_space<vmem>>, %arg3: memref<1000x128xf32, #tpu.memory_space<vmem>>, %arg4: memref<128x128xf32, #tpu.memory_space<vmem>>, %arg5: memref<1x128xf32, #tpu.memory_space<vmem>>, %arg6: memref<1000x128xf32, #tpu.memory_space<vmem>>) attributes {dimension_semantics = [#tpu.dimension_semantics<arbitrary>], iteration_bounds = array<i64: 10>, scalar_prefetch = 0 : i64, scratch_operands = 0 : i64, tpu.core_type = #tpu.core_type<tc>, window_params = [{transform_indices = @transform_0, window_bounds = array<i64: 2, 1000, 128>}, {transform_indices = @transform_1, window_bounds = array<i64: 2, 1000, 1>}, {transform_indices = @transform_2, window_bounds = array<i64: 1000, 128>}, {pipeline_mode = #tpu.pipeline_mode<synchronous>, transform_indices = @transform_3, window_bounds = array<i64: 128, 128>}, {pipeline_mode = #tpu.pipeline_mode<synchronous>, transform_indices = @transform_4, window_bounds = array<i64: 1, 128>}, {transform_indices = @transform_5, window_bounds = array<i64: 1000, 128>}]} {
    %get3A = arith.constant 0 : index
    %get3A_0 = arith.constant 0 : index
    %get3A_1 = arith.constant 0 : index
    %get3A_2 = vector.load %arg1[%get3A, %get3A_0, %get3A_1] : memref<2x1000x128xf32, #tpu.memory_space<vmem>>, vector<1x1000x128xf32>
    %get3A_3 = vector.shape_cast %get3A_2 : vector<1x1000x128xf32> to vector<1000x128xf32>
    %get3A_4 = arith.constant 1 : index
    %get3A_5 = arith.constant 0 : index
    %get3A_6 = arith.constant 0 : index
    %get3A_7 = vector.load %arg1[%get3A_4, %get3A_5, %get3A_6] : memref<2x1000x128xf32, #tpu.memory_space<vmem>>, vector<1x1000x128xf32>
    %get3A_8 = vector.shape_cast %get3A_7 : vector<1x1000x128xf32> to vector<1000x128xf32>
    %add3A = arith.addf %get3A_3, %get3A_8 : vector<1000x128xf32>
    %get3A_9 = arith.constant 0 : index
    %get3A_10 = arith.constant 0 : index
    %get3A_11 = arith.constant 0 : index
    %get3A_12 = vector.load %arg2[%get3A_9, %get3A_10, %get3A_11] : memref<2x1000x1xf32, #tpu.memory_space<vmem>>, vector<1x1000x1xf32>
    %get3A_13 = vector.shape_cast %get3A_12 : vector<1x1000x1xf32> to vector<1000x1xf32>
    %get3A_14 = arith.constant 1 : index
    %get3A_15 = arith.constant 0 : index
    %get3A_16 = arith.constant 0 : index
    %get3A_17 = vector.load %arg2[%get3A_14, %get3A_15, %get3A_16] : memref<2x1000x1xf32, #tpu.memory_space<vmem>>, vector<1x1000x1xf32>
    %get3A_18 = vector.shape_cast %get3A_17 : vector<1x1000x1xf32> to vector<1000x1xf32>
    %add3A_19 = arith.addf %get3A_13, %get3A_18 : vector<1000x1xf32>
    %add3A_20 = arith.constant 1.000000e+00 : f32
    %add3A_21 = vector.broadcast %add3A_20 : f32 to vector<1000x1xf32>
    %add3A_22 = arith.addf %add3A_19, %add3A_21 : vector<1000x1xf32>
    %div3A = vector.broadcast %add3A_22 : vector<1000x1xf32> to vector<1000x128xf32>
    %div3A_23 = arith.divf %add3A, %div3A : vector<1000x128xf32>
    %get3A_24 = arith.constant 0 : index
    %get3A_25 = arith.constant 0 : index
    %get3A_26 = vector.load %arg3[%get3A_24, %get3A_25] : memref<1000x128xf32, #tpu.memory_space<vmem>>, vector<1000x128xf32>
    %add3A_27 = arith.addf %div3A_23, %get3A_26 : vector<1000x128xf32>
    %get3A_28 = arith.constant 0 : index
    %get3A_29 = arith.constant 0 : index
    %get3A_30 = vector.load %arg4[%get3A_28, %get3A_29] : memref<128x128xf32, #tpu.memory_space<vmem>>, vector<128x128xf32>
    %dot_general3A = arith.constant dense<0.000000e+00> : vector<1000x128xf32>
    %dot_general3A_31 = tpu.matmul %add3A_27, %get3A_30, %dot_general3A {dimension_numbers = #tpu.dot_dimension_numbers<[1], [0], [0], [1], [0, 0, 1, 1], [], []>, transpose_lhs_hint = false} : vector<1000x128xf32>, vector<128x128xf32>, vector<1000x128xf32> -> vector<1000x128xf32>
    %get3A_32 = arith.constant 0 : index
    %get3A_33 = arith.constant 0 : index
    %get3A_34 = vector.load %arg5[%get3A_32, %get3A_33] : memref<1x128xf32, #tpu.memory_space<vmem>>, vector<1x128xf32>
    %add3A_35 = vector.broadcast %get3A_34 : vector<1x128xf32> to vector<1000x128xf32>
    %add3A_36 = arith.addf %dot_general3A_31, %add3A_35 : vector<1000x128xf32>
    %max3A = arith.constant 0.000000e+00 : f32
    %max3A_37 = vector.broadcast %max3A : f32 to vector<1000x128xf32>
    %max3A_38 = arith.maximumf %add3A_36, %max3A_37 : vector<1000x128xf32>
    %swap3A = arith.constant 0 : index
    %swap3A_39 = arith.constant 0 : index
    %swap3A_40 = vector.load %arg6[%swap3A, %swap3A_39] : memref<1000x128xf32, #tpu.memory_space<vmem>>, vector<1000x128xf32>
    tpu.vector_store %arg6[%swap3A, %swap3A_39], %max3A_38 {strides = array<i32>} : memref<1000x128xf32, #tpu.memory_space<vmem>>, vector<1000x128xf32>,
    return
  }
  func.func @transform_0(%arg0: i32) -> (i32, i32, i32) {
    %c0_i32 = arith.constant 0 : i32
    %c0_i32_0 = arith.constant 0 : i32
    %c0_i32_1 = arith.constant 0 : i32
    return %c0_i32, %arg0, %c0_i32_0 : i32, i32, i32
  }
  func.func @transform_1(%arg0: i32) -> (i32, i32, i32) {
    %c0_i32 = arith.constant 0 : i32
    %c0_i32_0 = arith.constant 0 : i32
    %c0_i32_1 = arith.constant 0 : i32
    return %c0_i32, %arg0, %c0_i32_0 : i32, i32, i32
  }
  func.func @transform_2(%arg0: i32) -> (i32, i32) {
    %c0_i32 = arith.constant 0 : i32
    %c0_i32_0 = arith.constant 0 : i32
    return %arg0, %c0_i32 : i32, i32
  }
  func.func @transform_3(%arg0: i32) -> (i32, i32) {
    %c0_i32 = arith.constant 0 : i32
    %c0_i32_0 = arith.constant 0 : i32
    %c0_i32_1 = arith.constant 0 : i32
    return %c0_i32, %c0_i32_0 : i32, i32
  }
  func.func @transform_4(%arg0: i32) -> (i32, i32) {
    %c0_i32 = arith.constant 0 : i32
    %c0_i32_0 = arith.constant 0 : i32
    %c0_i32_1 = arith.constant 0 : i32
    return %c0_i32, %c0_i32_0 : i32, i32
  }
  func.func @transform_5(%arg0: i32) -> (i32, i32) {
    %c0_i32 = arith.constant 0 : i32
    %c0_i32_0 = arith.constant 0 : i32
    return %arg0, %c0_i32 : i32, i32
  }
}

module attributes {stable_mosaic.version = 14 : i64} {
  func.func @body(%arg0: i32, %arg1: memref<2x1000x128xf32, #tpu.memory_space<vmem>>, %arg2: memref<2x1000x1xf32, #tpu.memory_space<vmem>>, %arg3: memref<1000x128xf32, #tpu.memory_space<vmem>>, %arg4: memref<128x128xf32, #tpu.memory_space<vmem>>, %arg5: memref<1x128xf32, #tpu.memory_space<vmem>>, %arg6: memref<128x128xf32, #tpu.memory_space<vmem>>, %arg7: memref<1000x128xf32, #tpu.memory_space<vmem>>) attributes {dimension_semantics = [#tpu.dimension_semantics<arbitrary>], iteration_bounds = array<i64: 10>, scalar_prefetch = 0 : i64, scratch_operands = 0 : i64, tpu.core_type = #tpu.core_type<tc>, window_params = [{transform_indices = @transform_0, window_bounds = array<i64: 2, 1000, 128>}, {transform_indices = @transform_1, window_bounds = array<i64: 2, 1000, 1>}, {transform_indices = @transform_2, window_bounds = array<i64: 1000, 128>}, {pipeline_mode = #tpu.pipeline_mode<synchronous>, transform_indices = @transform_3, window_bounds = array<i64: 128, 128>}, {pipeline_mode = #tpu.pipeline_mode<synchronous>, transform_indices = @transform_4, window_bounds = array<i64: 1, 128>}, {pipeline_mode = #tpu.pipeline_mode<synchronous>, transform_indices = @transform_5, window_bounds = array<i64: 128, 128>}, {transform_indices = @transform_6, window_bounds = array<i64: 1000, 128>}]} {
    %get3A = arith.constant 0 : index
    %get3A_0 = arith.constant 0 : index
    %get3A_1 = arith.constant 0 : index
    %get3A_2 = vector.load %arg1[%get3A, %get3A_0, %get3A_1] : memref<2x1000x128xf32, #tpu.memory_space<vmem>>, vector<1x1000x128xf32>
    %get3A_3 = vector.shape_cast %get3A_2 : vector<1x1000x128xf32> to vector<1000x128xf32>
    %get3A_4 = arith.constant 1 : index
    %get3A_5 = arith.constant 0 : index
    %get3A_6 = arith.constant 0 : index
    %get3A_7 = vector.load %arg1[%get3A_4, %get3A_5, %get3A_6] : memref<2x1000x128xf32, #tpu.memory_space<vmem>>, vector<1x1000x128xf32>
    %get3A_8 = vector.shape_cast %get3A_7 : vector<1x1000x128xf32> to vector<1000x128xf32>
    %add3A = arith.addf %get3A_3, %get3A_8 : vector<1000x128xf32>
    %get3A_9 = arith.constant 0 : index
    %get3A_10 = arith.constant 0 : index
    %get3A_11 = arith.constant 0 : index
    %get3A_12 = vector.load %arg2[%get3A_9, %get3A_10, %get3A_11] : memref<2x1000x1xf32, #tpu.memory_space<vmem>>, vector<1x1000x1xf32>
    %get3A_13 = vector.shape_cast %get3A_12 : vector<1x1000x1xf32> to vector<1000x1xf32>
    %get3A_14 = arith.constant 1 : index
    %get3A_15 = arith.constant 0 : index
    %get3A_16 = arith.constant 0 : index
    %get3A_17 = vector.load %arg2[%get3A_14, %get3A_15, %get3A_16] : memref<2x1000x1xf32, #tpu.memory_space<vmem>>, vector<1x1000x1xf32>
    %get3A_18 = vector.shape_cast %get3A_17 : vector<1x1000x1xf32> to vector<1000x1xf32>
    %add3A_19 = arith.addf %get3A_13, %get3A_18 : vector<1000x1xf32>
    %add3A_20 = arith.constant 1.000000e+00 : f32
    %add3A_21 = vector.broadcast %add3A_20 : f32 to vector<1000x1xf32>
    %add3A_22 = arith.addf %add3A_19, %add3A_21 : vector<1000x1xf32>
    %div3A = vector.broadcast %add3A_22 : vector<1000x1xf32> to vector<1000x128xf32>
    %div3A_23 = arith.divf %add3A, %div3A : vector<1000x128xf32>
    %get3A_24 = arith.constant 0 : index
    %get3A_25 = arith.constant 0 : index
    %get3A_26 = vector.load %arg3[%get3A_24, %get3A_25] : memref<1000x128xf32, #tpu.memory_space<vmem>>, vector<1000x128xf32>
    %add3A_27 = arith.addf %div3A_23, %get3A_26 : vector<1000x128xf32>
    %get3A_28 = arith.constant 0 : index
    %get3A_29 = arith.constant 0 : index
    %get3A_30 = vector.load %arg4[%get3A_28, %get3A_29] : memref<128x128xf32, #tpu.memory_space<vmem>>, vector<128x128xf32>
    %dot_general3A = arith.constant dense<0.000000e+00> : vector<1000x128xf32>
    %dot_general3A_31 = tpu.matmul %add3A_27, %get3A_30, %dot_general3A {dimension_numbers = #tpu.dot_dimension_numbers<[1], [0], [0], [1], [0, 0, 1, 1], [], []>, transpose_lhs_hint = false} : vector<1000x128xf32>, vector<128x128xf32>, vector<1000x128xf32> -> vector<1000x128xf32>
    %get3A_32 = arith.constant 0 : index
    %get3A_33 = arith.constant 0 : index
    %get3A_34 = vector.load %arg5[%get3A_32, %get3A_33] : memref<1x128xf32, #tpu.memory_space<vmem>>, vector<1x128xf32>
    %add3A_35 = vector.broadcast %get3A_34 : vector<1x128xf32> to vector<1000x128xf32>
    %add3A_36 = arith.addf %dot_general3A_31, %add3A_35 : vector<1000x128xf32>
    %max3A = arith.constant 0.000000e+00 : f32
    %max3A_37 = vector.broadcast %max3A : f32 to vector<1000x128xf32>
    %max3A_38 = arith.maximumf %add3A_36, %max3A_37 : vector<1000x128xf32>
    %get3A_39 = arith.constant 0 : index
    %get3A_40 = arith.constant 0 : index
    %get3A_41 = vector.load %arg6[%get3A_39, %get3A_40] : memref<128x128xf32, #tpu.memory_space<vmem>>, vector<128x128xf32>
    %dot_general3A_42 = arith.constant dense<0.000000e+00> : vector<1000x128xf32>
    %dot_general3A_43 = tpu.matmul %max3A_38, %get3A_41, %dot_general3A_42 {dimension_numbers = #tpu.dot_dimension_numbers<[1], [0], [0], [1], [0, 0, 1, 1], [], []>, transpose_lhs_hint = false} : vector<1000x128xf32>, vector<128x128xf32>, vector<1000x128xf32> -> vector<1000x128xf32>
    %swap3A = arith.constant 0 : index
    %swap3A_44 = arith.constant 0 : index
    %swap3A_45 = vector.load %arg7[%swap3A, %swap3A_44] : memref<1000x128xf32, #tpu.memory_space<vmem>>, vector<1000x128xf32>
    tpu.vector_store %arg7[%swap3A, %swap3A_44], %dot_general3A_43 {strides = array<i32>} : memref<1000x128xf32, #tpu.memory_space<vmem>>, vector<1000x128xf32>,
    return
  }
  func.func @transform_0(%arg0: i32) -> (i32, i32, i32) {
    %c0_i32 = arith.constant 0 : i32
    %c0_i32_0 = arith.constant 0 : i32
    %c0_i32_1 = arith.constant 0 : i32
    return %c0_i32, %arg0, %c0_i32_0 : i32, i32, i32
  }
  func.func @transform_1(%arg0: i32) -> (i32, i32, i32) {
    %c0_i32 = arith.constant 0 : i32
    %c0_i32_0 = arith.constant 0 : i32
    %c0_i32_1 = arith.constant 0 : i32
    return %c0_i32, %arg0, %c0_i32_0 : i32, i32, i32
  }
  func.func @transform_2(%arg0: i32) -> (i32, i32) {
    %c0_i32 = arith.constant 0 : i32
    %c0_i32_0 = arith.constant 0 : i32
    return %arg0, %c0_i32 : i32, i32
  }
  func.func @transform_3(%arg0: i32) -> (i32, i32) {
    %c0_i32 = arith.constant 0 : i32
    %c0_i32_0 = arith.constant 0 : i32
    %c0_i32_1 = arith.constant 0 : i32
    return %c0_i32, %c0_i32_0 : i32, i32
  }
  func.func @transform_4(%arg0: i32) -> (i32, i32) {
    %c0_i32 = arith.constant 0 : i32
    %c0_i32_0 = arith.constant 0 : i32
    %c0_i32_1 = arith.constant 0 : i32
    return %c0_i32, %c0_i32_0 : i32, i32
  }
  func.func @transform_5(%arg0: i32) -> (i32, i32) {
    %c0_i32 = arith.constant 0 : i32
    %c0_i32_0 = arith.constant 0 : i32
    %c0_i32_1 = arith.constant 0 : i32
    return %c0_i32, %c0_i32_0 : i32, i32
  }
  func.func @transform_6(%arg0: i32) -> (i32, i32) {
    %c0_i32 = arith.constant 0 : i32
    %c0_i32_0 = arith.constant 0 : i32
    return %arg0, %c0_i32 : i32, i32
  }
}

</mosaic_0001>

<sc_bundles>
// kernel: kernel.10.cloned.1.call-start
scs
__scs_entry_jumppad:
0x0: {  	(pc) =	sbr.rel $0x88, $3  }
0x1: {  	(tag) =	ssettag $0x0;
	lr =	simm.s32 $0x1  }
0x2: {  	[smem:$0x3F9B] =	sst lr;
	_ =	strace $0xD0000000  }
0x3: {  	_ = 	snop  }
0x4: {  	_ = 	snop  }
0x5: {  	_ = 	snop  }
0x6: {  	_ = 	snop  }
0x7: {  	_ = 	snop  }
__scs_overlays_trampoline_lowered:
0x8: {  	[smem:$0x3FAA] =	sst s0  }
0x9: {  	[smem:$0x3FAB] =	sst s1  }
0xa: {  	[smem:$0x3FAC] =	sst s2  }
0xb: {  	[smem:$0x3FAD] =	sst s3  }
0xc: {  	[smem:$0x3FAE] =	sst s4  }
0xd: {  	[smem:$0x3FAF] =	sst s5  }
0xe: {  	[smem:$0x3FB0] =	sst s6  }
0xf: {  	[smem:$0x3FB1] =	sst s7  }
0x10: {  	[smem:$0x3FB2] =	sst s8  }
0x11: {  	[smem:$0x3FB3] =	sst s9;
	s0 =	simm.s32 @!p0 $0x0  }
0x12: {  	s1 =	sld [smem:$0x3F99];
	s0 =	simm.s32 @p0 $0x1  }
0x13: {  	[smem:$0x3FB4] =	sst s0;
	s0 =	simm.s32 @!p1 $0x0  }
0x14: {  	s2 =	sld [smem:$0x3F98];
	s0 =	simm.s32 @p1 $0x1  }
0x15: {  	[smem:$0x3FB5] =	sst s0;
	s0 =	simm.s32 @!p2 $0x0  }
0x16: {  	s3 =	sld [smem:$0x3FDB];
	s0 =	simm.s32 @p2 $0x1  }
0x17: {  	s4 =	simm.s32 $0x1BF5;
	[smem:$0x3FB7] =	sst s0  }
0x18: {  	s0 =	sld [smem:$0x3F9A];
	_ =	swait.ge [sflag:s4], $0x0  }
0x19: {  	s7 =	sld [smem:$0x3F9B]  }
0x1a: {  	s8 =	sadd.s32 $0xFFFFE003, lr  }
0x1b: {  	s9 =	sadd.s32 $0xFFFFFEF7, lr;
	s5 =	simm.s32 $0xFFFFFFFF;
	p2 =	slt.u32 s8, $0xFFFFF086  }
0x1c: {  	p1 =	slt.u32 s9, $0xF7A;
	s5 =	simm.s32 @!p2 $0x0  }
0x1d: {  	s5 =	simm.s32 @p1 $0x1;
	p0 =	seq.s32 s7, s2  }
0x1e: {  	s7 =	smul.u32 @!p0 $0xF7A, s2;
	p2 =	seq.s32 @!p0 s5, $0x0  }
0x1f: {  	s9 =	smul.u32 $0xF7A, s1;
	s8 =	simm.s32 @!p0 $0x1BF5;
	p2 =	por !p2, p0  }
0x20: {  	[sflag:s8] =	ssyncset.s32 @!p0 $0xFFFFF086;
	s6 =	sadd.s32 @!p0 s3, s7;
	s7 =	simm.s32 @!p0 $0x108  }
0x21: {  	s3 =	sadd.s32 s3, s9;
	s6 =	sadd.s32 @!p0 $0x88, s6;
	s7 =	simm.s32 @p2 $0x1082  }
0x22: {  	[simem:s7], [sflag:s8] =	dma.local @!p0 [hbm:s6], $0xF7A  }
0x23: {  	s9 =	sor.u32 $0xD0000000, s2;
	s6 =	simm.s32 $0x108;
	_ =	swait.ge @!p0 [sflag:s8], $0x0  }
0x24: {  	s3 =	sadd.s32 $0x88, s3;
	s6 =	simm.s32 @!p1 $0x1082;
	[sflag:s4] =	ssyncset.s32 $0xFFFFF086  }
0x25: {  	[simem:s6], [sflag:s4] =	dma.local [hbm:s3], $0xF7A  }
0x26: {  	[smem:$0x3F9B] =	sst s1;
	(tag) =	ssettag s2;
	_ =	strace s9  }
0x27: {  	s1 =	sld [smem:$0x3FAB]  }
0x28: {  	s2 =	sld [smem:$0x3FAC]  }
0x29: {  	s4 =	sld [smem:$0x3FAE]  }
0x2a: {  	p0 =	seq.s32 s5, $0x0;
	s5 =	sld [smem:$0x3FAF]  }
0x2b: {  	s6 =	sld [smem:$0x3FB0]  }
0x2c: {  	s7 =	sld [smem:$0x3FB1]  }
0x2d: {  	s3 =	simm.s32 $0x108;
	s8 =	sld [smem:$0x3FB2]  }
0x2e: {  	s3 =	simm.s32 @!p0 $0x1082;
	s9 =	sld [smem:$0x3FB3]  }
0x2f: {  	lr =	sadd.s32 s0, s3;
	s0 =	sld [smem:$0x3FAA]  }
0x30: {  	s3 =	sld [smem:$0x3FAD]  }
0x31: {  	[smem:$0x3FB6] =	sst s10  }
0x32: {  	s10 =	sld [smem:$0x3FB4];
	_ =	sdelay $0x3  }
0x33: {  	p0 =	seq.s32 s10, $0x1;
	s10 =	sld [smem:$0x3FB6];
	_ =	sdelay $0x3  }
0x34: {  	[smem:$0x3FB6] =	sst s10  }
0x35: {  	s10 =	sld [smem:$0x3FB5];
	_ =	sdelay $0x3  }
0x36: {  	p1 =	seq.s32 s10, $0x1;
	s10 =	sld [smem:$0x3FB6];
	_ =	sdelay $0x3  }
0x37: {  	[smem:$0x3FB6] =	sst s10  }
0x38: {  	s10 =	sld [smem:$0x3FB7]  }
0x39: {  	_ = 	snop;
	(pc) =	sbr.ind lr, $3  }
0x3a: {  	_ = 	snop  }
0x3b: {  	_ = 	snop  }
0x3c: {  	p2 =	seq.s32 s10, $0x1;
	s10 =	sld [smem:$0x3FB6]  }
0x3d: {  	_ =	shalt  }
0x3e: {  	_ =	shalt  }
0x3f: {  	_ =	shalt  }
0x40: {  	_ =	shalt  }
0x41: {  	_ =	shalt  }
0x42: {  	_ =	shalt  }
0x43: {  	_ =	shalt  }
0x44: {  	_ =	shalt  }
0x45: {  	_ =	shalt  }
0x46: {  	_ =	shalt  }
0x47: {  	_ =	shalt  }
0x48: {  	_ =	shalt  }
0x49: {  	_ =	shalt  }
0x4a: {  	_ =	shalt  }
0x4b: {  	_ =	shalt  }
0x4c: {  	_ =	shalt  }
0x4d: {  	_ =	shalt  }
0x4e: {  	_ =	shalt  }
0x4f: {  	_ =	shalt  }
0x50: {  	_ =	shalt  }
0x51: {  	_ =	shalt  }
0x52: {  	_ =	shalt  }
0x53: {  	_ =	shalt  }
0x54: {  	_ =	shalt  }
0x55: {  	_ =	shalt  }
0x56: {  	_ =	shalt  }
0x57: {  	_ =	shalt  }
0x58: {  	_ =	shalt  }
0x59: {  	_ =	shalt  }
0x5a: {  	_ =	shalt  }
0x5b: {  	_ =	shalt  }
0x5c: {  	_ =	shalt  }
0x5d: {  	_ =	shalt  }
0x5e: {  	_ =	shalt  }
0x5f: {  	_ =	shalt  }
0x60: {  	_ =	shalt  }
0x61: {  	_ =	shalt  }
0x62: {  	_ =	shalt  }
0x63: {  	_ =	shalt  }
0x64: {  	_ =	shalt  }
0x65: {  	_ =	shalt  }
0x66: {  	_ =	shalt  }
0x67: {  	_ =	shalt  }
0x68: {  	_ =	shalt  }
0x69: {  	_ =	shalt  }
0x6a: {  	_ =	shalt  }
0x6b: {  	_ =	shalt  }
0x6c: {  	_ =	shalt  }
0x6d: {  	_ =	shalt  }
0x6e: {  	_ =	shalt  }
0x6f: {  	_ =	shalt  }
0x70: {  	_ =	shalt  }
0x71: {  	_ =	shalt  }
0x72: {  	_ =	shalt  }
0x73: {  	_ =	shalt  }
0x74: {  	_ =	shalt  }
0x75: {  	_ =	shalt  }
0x76: {  	_ =	shalt  }
0x77: {  	_ =	shalt  }
0x78: {  	_ =	shalt  }
0x79: {  	_ =	shalt  }
0x7a: {  	_ =	shalt  }
0x7b: {  	_ =	shalt  }
0x7c: {  	_ =	shalt  }
0x7d: {  	_ =	shalt  }
0x7e: {  	_ =	shalt  }
0x7f: {  	_ =	shalt  }
0x80: {  	_ =	shalt  }
0x81: {  	_ =	shalt  }
0x82: {  	_ =	shalt  }
0x83: {  	_ =	shalt  }
0x84: {  	_ =	shalt  }
0x85: {  	_ =	shalt  }
0x86: {  	_ =	shalt  }
0x87: {  	_ =	shalt  }
.Lfunc_end0:
.L_simem_size_0:
called_computation.1_lowered:
.L_overlay_start_0:
0x88: {  	s2 =	sld [smem:$0x3FD9]  }
0x89: {  	s3 =	sld [smem:$0x3FFE];
	_ =	sdelay $0x1  }
0x8a: {  	s1 =	srdreg.scid  }
0x8b: {  	s0 =	sand.u32 $0x1, s1  }
0x8c: {  	s17 =	sshll.u32 s0, $0xA;
	s2 =	sadd.s32 s3, s2  }
0x8d: {  	s2 =	sadd.s32 s2, s17  }
0x8e: {  	[smem:$0x3FC2] =	sst s2  }
0x8f: {  	_ = 	snop  }
0x90: {  	s2 =	sld [smem:$0x3FD0];
	(tm) =	ssettm $0x1  }
0x91: {  	s18 =	sld [smem:$0x3FFB];
	_ =	sdelay $0x3  }
0x92: {  	_ =	strace s18  }
0x93: {  	s3 =	sld [smem:$0x3FFC];
	_ =	sdelay $0x3  }
0x94: {  	_ =	strace s3  }
0x95: {  	s3 =	sld [smem:$0x3FFD];
	_ =	sdelay $0x3  }
0x96: {  	_ =	strace s3  }
0x97: {  	_ =	strace $0x8FFFFFFF  }
0x98: {  	s19 =	sld [smem:$0x3FDB];
	_ =	sdelay $0x1  }
0x99: {  	s4 =	simm.s32 $_scs_section_size  }
0x9a: {  	s5 =	simm.s32 $_size__tile_overlayer_lowered;
	s6 =	simm.s32 $_tile_overlayer_lowered  }
0x9b: {  	s22 =	simm.s32 $0x1BFF;
	s21 =	sshll.u32 s6, $0x1;
	s3 =	sadd.s32 s4, s19  }
0x9c: {  	s7 =	simm.s32 $0x0;
	s20 =	sshll.u32 s5, $0x1;
	s5 =	sadd.s32 s21, s3  }
0x9d: {  	[timem:s7], [sflag:s22] =	dma.local [hbm:s5], s20  }
0x9e: {  	_ =	swait.ge [sflag:s22], s20  }
0x9f: {  	s4 =	ssub.s32 $0x0, s20;
	[sflag:s22] =	ssyncset.done $0x0  }
0xa0: {  	[sflag:s22] =	ssyncadd.s32 s4;
	_ =	sdelay $0x1  }
0xa1: {  	s23 =	simm.s32 $0x1B8B  }
0xa2: {  	_ =	swait.ge [sflag:s23], $0x1  }
0xa3: {  	[sflag:s23] =	ssyncset.done $0x0  }
0xa4: {  	s25 =	simm.s32 $0x1B8E;
	s24 =	sld [smem:$0x3FFE];
	[sflag:s23] =	ssyncadd.s32 $0xFFFFFFFF  }
0xa5: {  	s26 =	simm.s32 $execute0_lowered;
	[smem:$0x3FD2] =	sst s25  }
0xa6: {  	s5 =	sshll.u32 s26, $0x1;
	_ =	strace $0x80000049;
	[dreg:$0x1] =	wrdreg $0xFFFFFFFF  }
0xa7: {  	s28 =	simm.s32 $_size_execute0_lowered;
	s3 =	sadd.s32 s3, s5;
	[dreg:$0x0] =	wrdreg $0x0  }
0xa8: {  	s5 =	sshll.u32 s28, $0x1;
	[dreg:$0x2] =	wrdreg s3  }
0xa9: {  	[dreg:$0x3] =	wrdreg s5  }
0xaa: {  	[dreg:$0x4] =	wrdreg $0xC0  }
0xab: {  	_ =	task [dreg:s7], $0x5FFFF  }
0xac: {  	[dreg:$0x1] =	wrdreg $0xFFFFFFFF  }
0xad: {  	[dreg:$0x0] =	wrdreg $0x60  }
0xae: {  	[dreg:$0x2] =	wrdreg s2  }
0xaf: {  	[dreg:$0x3] =	wrdreg s24  }
0xb0: {  	[dreg:$0x4] =	wrdreg $0xB0000  }
0xb1: {  	[dreg:$0x5] =	wrdreg $0x9  }
0xb2: {  	_ =	task.clear_ibuf [dreg:s7], $0x6FFFF;
	_ =	strace $0x90000049  }
0xb3: {  	s29 =	simm.s32 $0x9;
	_ =	strace $0x8000004B  }
0xb4: {  	_ =	swait.ge [sflag:s29], $0x1  }
0xb5: {  	[sflag:s29] =	ssyncadd.s32 $0xFFFFFFFF  }
0xb6: {  	_ =	strace $0x9000004B  }
0xb7: {  	_ =	sfence  }
0xb8: {  	s30 =	sld [smem:$0x0];
	_ =	sdelay $0x2  }
0xb9: {  	s31 =	sshll.u32 s1, $0xD;
	s1 =	sshrl.u32 s1, $0x2  }
0xba: {  	s3 =	sand.u32 $0x4000, s31;
	s1 =	sadd.s32 s1, s30  }
0xbb: {  	s0 =	sor.u32 s3, s0;
	s1 =	sshll.u32 s1, $0x11  }
0xbc: {  	s0 =	sor.u32 s1, s0  }
0xbd: {  	s0 =	sadd.s32 $0x8F2B, s0  }
0xbe: {  	[sflag:s0] =	ssyncadd.remote.s32 $0x1  }
0xbf: {  	_ =	sfence.sel $0xFFFF  }
0xc0: {  	[dreg:$0x0] =	wrdreg $0xFFFFFFFF;
	(pc) =	sbr.abs _section_cstart, $3  }
0xc1: {  	[dreg:$0x1] =	wrdreg $0xFFFFFFFF  }
0xc2: {  	_ =	task.clear_ibuf [dreg:s7], $0x2FFFF;
	_ =	strace $0x9FFFFFFF  }
0xc3: {  	(tm) =	ssettm $0x7FFFFFFF  }
tec
execute0_lowered:
.L_overlay_start_1:
0x0: {  	(tag) =	ssettag $0x1  }
0x1: {  	s1 =	rddreg [dreg:$0x0]  }
0x2: {  	s5 =	rddreg [dreg:$0x1]  }
0x3: {  	s0 =	srdreg.scid;
	s3 =	rddreg [dreg:$0x2]  }
0x4: {  	s4 =	simm.s32 $0x0;
	s14 =	simm.s32 $0x80;
	s15 =	simm.s32 $0x7000  }
0x5: {  	s16 =	simm.s32 $0x1;
	s9 =	sand.u32 $0x1, s0;
	s0 =	stileid.u32  }
0x6: {  	s17 =	simm.s32 $0x0;
	[smem:$0x7FF] =	sst s4;
	s7 =	smul.u32 $0x14000, s0  }
0x7: {  	s2 =	sshll.u32 s9, $0x4;
	s8 =	smul.u32 $0x140000, s9;
	s28 =	ssub.s32 $0x2, s9  }
0x8: {  	s11 =	smul.u32 $0x50000, s0;
	s31 =	sshll.u32 s0, $0x6;
	s2 =	sor.u32 s0, s2  }
0x9: {  	p0 =	seq.s32 s9, $0x1;
	s29 =	sshrl.u32 s28, $0x1;
	s6 =	smul.u32 $0x700, s2  }
0xa: {  	s2 =	rddreg [dreg:$0x3];
	_ =	strace $0x8000004A;
	s26 =	sshrl.u32 s7, $0x3  }
0xb: {  	s7 =	sadd.s32 s7, s8;
	s13 =	ssub.s32 s28, s29;
	s30 =	sshrl.u32 s11, $0x2  }
.Ltmp0:
0xc: {  	s7 =	sshrl.u32 s7, $0x3;
	s11 =	sadd.s32 s30, s3;
	(pc) =	sbr.rel .LBB2_1-.Ltmp0, $4  }
0xd: {  	s10 =	sadd.s32 s6, s5;
	s6 =	sadd.s32 s26, s5;
	s12 =	sadd.s32 s7, s5  }
0xe: {  	s11 =	sshrl.u32 s11, $0x3;
	s5 =	sadd.s32 $0x1E400, s6;
	s6 =	sor.u32 $0x1C02, s31  }
0xf: {  	s7 =	sadd.s32 $0x10400, s10;
	s8 =	sadd.s32 $0x2400, s10;
	s9 =	sadd.s32 $0x46400, s12  }
0x10: {  	s10 =	smax.u32 s13, $0x1;
	s12 =	simm.s32 $0x2;
	s13 =	simm.s32 $0x3800  }
.LBB2_7:
0x11: {  	s18 =	sshra.s32 s18, $0x2;
	[sflag:s12] =	ssyncadd.s32 $0xFFFFC000  }
0x12: {  	[tilespmem:s15], [sflag:$0x1] =	stream.indirect.gather [hbm4b:s1+s14], $0x80, s18, s14, $0xb8;
	[tilespmem:$0x1F000] =	vst v63  }
0x13: {  	_ =	swait.ge [sflag:s16], $0x4000  }
0x14: {  	[sflag:s16] =	ssyncset.done $0x0  }
0x15: {  	s18 =	sadd.s32 $0x3800, s18;
	[sflag:s16] =	ssyncadd.s32 $0xFFFFC000  }
0x16: {  	[spmem:s3] =	stream.indirect.scatter.add.f32 [tilespmem:s15], [sflag:$0x2], $0x80, s18, s14, $0xb8;
	[tilespmem:$0x1F000] =	vst v63  }
0x17: {  	_ =	swait.ge [sflag:s12], $0x4000  }
0x18: {  	[sflag:s12] =	ssyncset.done $0x0  }
0x19: {  	[sflag:s12] =	ssyncadd.s32 $0xFFFFC000  }
.LBB2_8:
0x1a: {  	s17 =	sadd.s32 $0x1, s17  }
0x1b: {  	p1 =	sne.s32 s17, s10  }
.Ltmp1:
0x1c: {  	[bflag:$0x0] =	sbarrier.arrive $0xFFFF;
	(pc) =	sbr.rel @!p1 .LBB2_9-.Ltmp1, $4  }
0x1d: {  	[hbm:s9], [sflag:s6] =	dma.local [spmem:s11], $0x2800  }
0x1e: {  	_ =	swait.ge [sflag:s12], $0x2800  }
0x1f: {  	[sflag:s12] =	ssyncset.done $0x0  }
0x20: {  	[sflag:s12] =	ssyncadd.s32 $0xFFFFD800  }
.LBB2_1:
0x21: {  	[spmem:s11], [sflag:s6] =	dma.local [hbm:s5], $0x2800  }
0x22: {  	_ =	swait.ge [sflag:s12], $0x2800  }
0x23: {  	[sflag:s12] =	ssyncset.done $0x0  }
0x24: {  	[sflag:s12] =	ssyncadd.s32 $0xFFFFD800  }
0x25: {  	[tilespmem:s4], [sflag:$0x2] =	stream.linear.gather [hbm4b:s7+s4], $0x3580, $0x38;
	[tilespmem:$0x1F000] =	vst v63  }
0x26: {  	_ =	swait.ge [sflag:s12], $0x3580  }
0x27: {  	[sflag:s12] =	ssyncset.done $0x0  }
0x28: {  	[sflag:s12] =	ssyncadd.s32 $0xFFFFCA80  }
0x29: {  	[tilespmem:s13], [sflag:$0x2] =	stream.linear.gather [hbm4b:s8+s4], $0x3580, $0x38;
	[tilespmem:$0x1F000] =	vst v63  }
.Ltmp2:
0x2a: {  	_ =	swait.ge [sflag:s12], $0x3580;
	(pc) =	sbr.rel @!p0 .LBB2_2-.Ltmp2, $4  }
0x2b: {  	[sflag:s12] =	ssyncset.done $0x0  }
0x2c: {  	[sflag:s12] =	ssyncadd.s32 $0xFFFFCA80  }
0x2d: {  	[bflag:$0x0] =	sbarrier.arrive $0xFFFF  }
0x2e: {  	s18 =	simm.s32 $0x0  }
0x2f: {  	[tilespmem:s15], [sflag:$0x1] =	stream.indirect.gather [hbm4b:s1+s14], $0x80, s18, s14, $0xb8;
	[tilespmem:$0x1F000] =	vst v63  }
0x30: {  	_ =	swait.ge [sflag:s16], $0x4000  }
0x31: {  	[sflag:s16] =	ssyncset.done $0x0  }
0x32: {  	s31 =	simm.s32 $0x3800;
	[sflag:s16] =	ssyncadd.s32 $0xFFFFC000  }
0x33: {  	[spmem:s3] =	stream.indirect.scatter.add.f32 [tilespmem:s15], [sflag:$0x2], $0x80, s31, s14, $0xb8;
	[tilespmem:$0x1F000] =	vst v63  }
0x34: {  	_ =	swait.ge [sflag:s12], $0x4000  }
0x35: {  	s18 =	simm.s32 $0x200;
	s19 =	simm.s32 $0x400;
	[sflag:s12] =	ssyncset.done $0x0  }
.LBB2_6:
0x36: {  	s20 =	sshra.s32 s18, $0x2  }
0x37: {  	[sflag:s12] =	ssyncadd.s32 $0xFFFFC000;
	s18 =	smov.u32 s19;
	s21 =	sadd.s32 $0x200, s19  }
0x38: {  	[tilespmem:s15], [sflag:$0x1] =	stream.indirect.gather [hbm4b:s1+s14], $0x80, s20, s14, $0xb8;
	[tilespmem:$0x1F000] =	vst v63  }
0x39: {  	p1 =	sne.s32 s19, $0x6400;
	_ =	swait.ge [sflag:s16], $0x4000  }
.Ltmp3:
0x3a: {  	[sflag:s16] =	ssyncset.done $0x0;
	(pc) =	sbr.rel @p1 .LBB2_6-.Ltmp3, $4  }
0x3b: {  	s19 =	sadd.s32 $0x3800, s20;
	[sflag:s16] =	ssyncadd.s32 $0xFFFFC000  }
0x3c: {  	[spmem:s3] =	stream.indirect.scatter.add.f32 [tilespmem:s15], [sflag:$0x2], $0x80, s19, s14, $0xb8;
	[tilespmem:$0x1F000] =	vst v63  }
0x3d: {  	_ =	swait.ge [sflag:s12], $0x4000  }
0x3e: {  	s19 =	smov.u32 s21;
	[sflag:s12] =	ssyncset.done $0x0  }
.Ltmp4:
0x3f: {  	_ = 	snop;
	(pc) =	sbr.rel .LBB2_7-.Ltmp4, $1  }
0x40: {  	_ =	sdelay $0x3  }
.LBB2_2:
0x41: {  	[tilespmem:s15], [sflag:$0x1] =	stream.indirect.gather [hbm4b:s1+s14], $0x80, s18, s14, $0xb8;
	[tilespmem:$0x1F000] =	vst v63  }
0x42: {  	_ =	swait.ge [sflag:s16], $0x4000  }
0x43: {  	[sflag:s16] =	ssyncset.done $0x0  }
0x44: {  	s31 =	simm.s32 $0x3800;
	[sflag:s16] =	ssyncadd.s32 $0xFFFFC000  }
0x45: {  	[spmem:s3] =	stream.indirect.scatter.add.f32 [tilespmem:s15], [sflag:$0x2], $0x80, s31, s14, $0xb8;
	[tilespmem:$0x1F000] =	vst v63  }
0x46: {  	_ =	swait.ge [sflag:s12], $0x4000  }
0x47: {  	s18 =	simm.s32 $0x200;
	s19 =	simm.s32 $0x400;
	[sflag:s12] =	ssyncset.done $0x0  }
.LBB2_3:
0x48: {  	s20 =	sshra.s32 s18, $0x2  }
0x49: {  	[sflag:s12] =	ssyncadd.s32 $0xFFFFC000;
	s18 =	smov.u32 s19;
	s21 =	sadd.s32 $0x200, s19  }
0x4a: {  	[tilespmem:s15], [sflag:$0x1] =	stream.indirect.gather [hbm4b:s1+s14], $0x80, s20, s14, $0xb8;
	[tilespmem:$0x1F000] =	vst v63  }
0x4b: {  	p1 =	seq.s32 s19, $0xD400;
	_ =	swait.ge [sflag:s16], $0x4000  }
.Ltmp5:
0x4c: {  	[sflag:s16] =	ssyncset.done $0x0;
	(pc) =	sbr.rel @!p1 .LBB2_3-.Ltmp5, $4  }
0x4d: {  	s19 =	sadd.s32 $0x3800, s20;
	[sflag:s16] =	ssyncadd.s32 $0xFFFFC000  }
0x4e: {  	[spmem:s3] =	stream.indirect.scatter.add.f32 [tilespmem:s15], [sflag:$0x2], $0x80, s19, s14, $0xb8;
	[tilespmem:$0x1F000] =	vst v63  }
0x4f: {  	_ =	swait.ge [sflag:s12], $0x4000  }
0x50: {  	s19 =	smov.u32 s21;
	[sflag:s12] =	ssyncset.done $0x0  }
0x51: {  	s18 =	sshra.s32 s18, $0x2;
	[sflag:s12] =	ssyncadd.s32 $0xFFFFC000  }
0x52: {  	[tilespmem:s15], [sflag:$0x1] =	stream.indirect.gather [hbm4b:s1+s14], $0x80, s18, s14, $0xb8;
	[tilespmem:$0x1F000] =	vst v63  }
0x53: {  	_ =	swait.ge [sflag:s16], $0x4000  }
0x54: {  	[sflag:s16] =	ssyncset.done $0x0  }
.Ltmp6:
0x55: {  	s18 =	sadd.s32 $0x3800, s18;
	[sflag:s16] =	ssyncadd.s32 $0xFFFFC000;
	(pc) =	sbr.rel .LBB2_8-.Ltmp6, $4  }
0x56: {  	[spmem:s3] =	stream.indirect.scatter.add.f32 [tilespmem:s15], [sflag:$0x2], $0x80, s18, s14, $0xb8;
	[tilespmem:$0x1F000] =	vst v63  }
0x57: {  	_ =	swait.ge [sflag:s12], $0x4000  }
0x58: {  	[sflag:s12] =	ssyncset.done $0x0  }
0x59: {  	[sflag:s12] =	ssyncadd.s32 $0xFFFFC000  }
.LBB2_9:
0x5a: {  	_ =	sfence.sel $0x180000  }
0x5b: {  	[bflag:$0x0] =	sbarrier.arrive $0xFFFF  }
0x5c: {  	p0 =	sne.s32 s0, $0x0;
	_ =	strace $0x9000004A  }
0x5d: {  	s0 =	sadd.s32 @!p0 $0x100000, s2;
	[bflag:$0x2] =	sbarrier.arrive $0xFFFF  }
0x5e: {  	[sflag:s0] =	ssyncadd.tile.s32 @!p0 $0x1;
	_ =	shalt  }
.Lfunc_end2:
_tile_overlayer_lowered:
.L_overlay_start_2:
0x5f: {  	(tag) =	ssettag $0x2  }
0x60: {  	s0 =	rddreg [dreg:$0x0];
	s2 =	stileid.u32  }
0x61: {  	s1 =	rddreg [dreg:$0x1];
	p0 =	sne.s32 s2, $0x0  }
0x62: {  	s3 =	rddreg [dreg:$0x2];
	[bflag:$0x3] =	sbarrier.arrive $0xFFFF;
	s2 =	simm.s32 @!p0 $0x1C02  }
0x63: {  	[timem:s3], [sflag:s2] =	dma.local @!p0 [hbm:s0], s1  }
0x64: {  	s0 =	simm.s32 @!p0 $0x2  }
0x65: {  	_ =	swait.ge @!p0 [sflag:s0], s1  }
0x66: {  	s1 =	ssub.s32 @!p0 $0x0, s1;
	[sflag:s0] =	ssyncset.done @!p0 $0x0  }
0x67: {  	[sflag:s0] =	ssyncadd.s32 @!p0 s1  }
0x68: {  	[bflag:$0x3] =	sbarrier.arrive $0xFFFF  }
0x69: {  	_ =	shalt  }

// kernel: kernel.7.cloned.1.call-start
scs
__scs_entry_jumppad:
0x0: {  	(pc) =	sbr.rel $0x88, $3  }
0x1: {  	(tag) =	ssettag $0x0;
	lr =	simm.s32 $0x1  }
0x2: {  	[smem:$0x3F9B] =	sst lr;
	_ =	strace $0xD0000000  }
0x3: {  	_ = 	snop  }
0x4: {  	_ = 	snop  }
0x5: {  	_ = 	snop  }
0x6: {  	_ = 	snop  }
0x7: {  	_ = 	snop  }
__scs_overlays_trampoline_lowered:
0x8: {  	[smem:$0x3FAA] =	sst s0  }
0x9: {  	[smem:$0x3FAB] =	sst s1  }
0xa: {  	[smem:$0x3FAC] =	sst s2  }
0xb: {  	[smem:$0x3FAD] =	sst s3  }
0xc: {  	[smem:$0x3FAE] =	sst s4  }
0xd: {  	[smem:$0x3FAF] =	sst s5  }
0xe: {  	[smem:$0x3FB0] =	sst s6  }
0xf: {  	[smem:$0x3FB1] =	sst s7  }
0x10: {  	[smem:$0x3FB2] =	sst s8  }
0x11: {  	[smem:$0x3FB3] =	sst s9;
	s0 =	simm.s32 @!p0 $0x0  }
0x12: {  	s1 =	sld [smem:$0x3F99];
	s0 =	simm.s32 @p0 $0x1  }
0x13: {  	[smem:$0x3FB4] =	sst s0;
	s0 =	simm.s32 @!p1 $0x0  }
0x14: {  	s2 =	sld [smem:$0x3F98];
	s0 =	simm.s32 @p1 $0x1  }
0x15: {  	[smem:$0x3FB5] =	sst s0;
	s0 =	simm.s32 @!p2 $0x0  }
0x16: {  	s3 =	sld [smem:$0x3FDB];
	s0 =	simm.s32 @p2 $0x1  }
0x17: {  	s4 =	simm.s32 $0x1BF5;
	[smem:$0x3FB7] =	sst s0  }
0x18: {  	s0 =	sld [smem:$0x3F9A];
	_ =	swait.ge [sflag:s4], $0x0  }
0x19: {  	s7 =	sld [smem:$0x3F9B]  }
0x1a: {  	s8 =	sadd.s32 $0xFFFFE003, lr  }
0x1b: {  	s9 =	sadd.s32 $0xFFFFFEF7, lr;
	s5 =	simm.s32 $0xFFFFFFFF;
	p2 =	slt.u32 s8, $0xFFFFF086  }
0x1c: {  	p1 =	slt.u32 s9, $0xF7A;
	s5 =	simm.s32 @!p2 $0x0  }
0x1d: {  	s5 =	simm.s32 @p1 $0x1;
	p0 =	seq.s32 s7, s2  }
0x1e: {  	s7 =	smul.u32 @!p0 $0xF7A, s2;
	p2 =	seq.s32 @!p0 s5, $0x0  }
0x1f: {  	s9 =	smul.u32 $0xF7A, s1;
	s8 =	simm.s32 @!p0 $0x1BF5;
	p2 =	por !p2, p0  }
0x20: {  	[sflag:s8] =	ssyncset.s32 @!p0 $0xFFFFF086;
	s6 =	sadd.s32 @!p0 s3, s7;
	s7 =	simm.s32 @!p0 $0x108  }
0x21: {  	s3 =	sadd.s32 s3, s9;
	s6 =	sadd.s32 @!p0 $0x88, s6;
	s7 =	simm.s32 @p2 $0x1082  }
0x22: {  	[simem:s7], [sflag:s8] =	dma.local @!p0 [hbm:s6], $0xF7A  }
0x23: {  	s9 =	sor.u32 $0xD0000000, s2;
	s6 =	simm.s32 $0x108;
	_ =	swait.ge @!p0 [sflag:s8], $0x0  }
0x24: {  	s3 =	sadd.s32 $0x88, s3;
	s6 =	simm.s32 @!p1 $0x1082;
	[sflag:s4] =	ssyncset.s32 $0xFFFFF086  }
0x25: {  	[simem:s6], [sflag:s4] =	dma.local [hbm:s3], $0xF7A  }
0x26: {  	[smem:$0x3F9B] =	sst s1;
	(tag) =	ssettag s2;
	_ =	strace s9  }
0x27: {  	s1 =	sld [smem:$0x3FAB]  }
0x28: {  	s2 =	sld [smem:$0x3FAC]  }
0x29: {  	s4 =	sld [smem:$0x3FAE]  }
0x2a: {  	p0 =	seq.s32 s5, $0x0;
	s5 =	sld [smem:$0x3FAF]  }
0x2b: {  	s6 =	sld [smem:$0x3FB0]  }
0x2c: {  	s7 =	sld [smem:$0x3FB1]  }
0x2d: {  	s3 =	simm.s32 $0x108;
	s8 =	sld [smem:$0x3FB2]  }
0x2e: {  	s3 =	simm.s32 @!p0 $0x1082;
	s9 =	sld [smem:$0x3FB3]  }
0x2f: {  	lr =	sadd.s32 s0, s3;
	s0 =	sld [smem:$0x3FAA]  }
0x30: {  	s3 =	sld [smem:$0x3FAD]  }
0x31: {  	[smem:$0x3FB6] =	sst s10  }
0x32: {  	s10 =	sld [smem:$0x3FB4];
	_ =	sdelay $0x3  }
0x33: {  	p0 =	seq.s32 s10, $0x1;
	s10 =	sld [smem:$0x3FB6];
	_ =	sdelay $0x3  }
0x34: {  	[smem:$0x3FB6] =	sst s10  }
0x35: {  	s10 =	sld [smem:$0x3FB5];
	_ =	sdelay $0x3  }
0x36: {  	p1 =	seq.s32 s10, $0x1;
	s10 =	sld [smem:$0x3FB6];
	_ =	sdelay $0x3  }
0x37: {  	[smem:$0x3FB6] =	sst s10  }
0x38: {  	s10 =	sld [smem:$0x3FB7]  }
0x39: {  	_ = 	snop;
	(pc) =	sbr.ind lr, $3  }
0x3a: {  	_ = 	snop  }
0x3b: {  	_ = 	snop  }
0x3c: {  	p2 =	seq.s32 s10, $0x1;
	s10 =	sld [smem:$0x3FB6]  }
0x3d: {  	_ =	shalt  }
0x3e: {  	_ =	shalt  }
0x3f: {  	_ =	shalt  }
0x40: {  	_ =	shalt  }
0x41: {  	_ =	shalt  }
0x42: {  	_ =	shalt  }
0x43: {  	_ =	shalt  }
0x44: {  	_ =	shalt  }
0x45: {  	_ =	shalt  }
0x46: {  	_ =	shalt  }
0x47: {  	_ =	shalt  }
0x48: {  	_ =	shalt  }
0x49: {  	_ =	shalt  }
0x4a: {  	_ =	shalt  }
0x4b: {  	_ =	shalt  }
0x4c: {  	_ =	shalt  }
0x4d: {  	_ =	shalt  }
0x4e: {  	_ =	shalt  }
0x4f: {  	_ =	shalt  }
0x50: {  	_ =	shalt  }
0x51: {  	_ =	shalt  }
0x52: {  	_ =	shalt  }
0x53: {  	_ =	shalt  }
0x54: {  	_ =	shalt  }
0x55: {  	_ =	shalt  }
0x56: {  	_ =	shalt  }
0x57: {  	_ =	shalt  }
0x58: {  	_ =	shalt  }
0x59: {  	_ =	shalt  }
0x5a: {  	_ =	shalt  }
0x5b: {  	_ =	shalt  }
0x5c: {  	_ =	shalt  }
0x5d: {  	_ =	shalt  }
0x5e: {  	_ =	shalt  }
0x5f: {  	_ =	shalt  }
0x60: {  	_ =	shalt  }
0x61: {  	_ =	shalt  }
0x62: {  	_ =	shalt  }
0x63: {  	_ =	shalt  }
0x64: {  	_ =	shalt  }
0x65: {  	_ =	shalt  }
0x66: {  	_ =	shalt  }
0x67: {  	_ =	shalt  }
0x68: {  	_ =	shalt  }
0x69: {  	_ =	shalt  }
0x6a: {  	_ =	shalt  }
0x6b: {  	_ =	shalt  }
0x6c: {  	_ =	shalt  }
0x6d: {  	_ =	shalt  }
0x6e: {  	_ =	shalt  }
0x6f: {  	_ =	shalt  }
0x70: {  	_ =	shalt  }
0x71: {  	_ =	shalt  }
0x72: {  	_ =	shalt  }
0x73: {  	_ =	shalt  }
0x74: {  	_ =	shalt  }
0x75: {  	_ =	shalt  }
0x76: {  	_ =	shalt  }
0x77: {  	_ =	shalt  }
0x78: {  	_ =	shalt  }
0x79: {  	_ =	shalt  }
0x7a: {  	_ =	shalt  }
0x7b: {  	_ =	shalt  }
0x7c: {  	_ =	shalt  }
0x7d: {  	_ =	shalt  }
0x7e: {  	_ =	shalt  }
0x7f: {  	_ =	shalt  }
0x80: {  	_ =	shalt  }
0x81: {  	_ =	shalt  }
0x82: {  	_ =	shalt  }
0x83: {  	_ =	shalt  }
0x84: {  	_ =	shalt  }
0x85: {  	_ =	shalt  }
0x86: {  	_ =	shalt  }
0x87: {  	_ =	shalt  }
.Lfunc_end0:
.L_simem_size_0:
called_computation_lowered:
.L_overlay_start_0:
0x88: {  	s2 =	sld [smem:$0x3FD9]  }
0x89: {  	s3 =	sld [smem:$0x3FFE];
	_ =	sdelay $0x1  }
0x8a: {  	s1 =	srdreg.scid  }
0x8b: {  	s0 =	sand.u32 $0x1, s1  }
0x8c: {  	s17 =	sshll.u32 s0, $0xA;
	s2 =	sadd.s32 s3, s2  }
0x8d: {  	s2 =	sadd.s32 s2, s17  }
0x8e: {  	[smem:$0x3FC2] =	sst s2  }
0x8f: {  	_ = 	snop  }
0x90: {  	s2 =	sld [smem:$0x3FD0];
	(tm) =	ssettm $0x1  }
0x91: {  	s18 =	sld [smem:$0x3FFB];
	_ =	sdelay $0x3  }
0x92: {  	_ =	strace s18  }
0x93: {  	s3 =	sld [smem:$0x3FFC];
	_ =	sdelay $0x3  }
0x94: {  	_ =	strace s3  }
0x95: {  	s3 =	sld [smem:$0x3FFD];
	_ =	sdelay $0x3  }
0x96: {  	_ =	strace s3  }
0x97: {  	_ =	strace $0x8FFFFFFF  }
0x98: {  	s19 =	sld [smem:$0x3FDB];
	_ =	sdelay $0x1  }
0x99: {  	s4 =	simm.s32 $_scs_section_size  }
0x9a: {  	s5 =	simm.s32 $_size__tile_overlayer_lowered;
	s6 =	simm.s32 $_tile_overlayer_lowered  }
0x9b: {  	s22 =	simm.s32 $0x1BFF;
	s21 =	sshll.u32 s6, $0x1;
	s3 =	sadd.s32 s4, s19  }
0x9c: {  	s7 =	simm.s32 $0x0;
	s20 =	sshll.u32 s5, $0x1;
	s5 =	sadd.s32 s21, s3  }
0x9d: {  	[timem:s7], [sflag:s22] =	dma.local [hbm:s5], s20  }
0x9e: {  	_ =	swait.ge [sflag:s22], s20  }
0x9f: {  	s4 =	ssub.s32 $0x0, s20;
	[sflag:s22] =	ssyncset.done $0x0  }
0xa0: {  	[sflag:s22] =	ssyncadd.s32 s4;
	_ =	sdelay $0x1  }
0xa1: {  	s23 =	simm.s32 $0x1B8B  }
0xa2: {  	_ =	swait.ge [sflag:s23], $0x1  }
0xa3: {  	[sflag:s23] =	ssyncset.done $0x0  }
0xa4: {  	s25 =	simm.s32 $0x1B8E;
	s24 =	sld [smem:$0x3FFE];
	[sflag:s23] =	ssyncadd.s32 $0xFFFFFFFF  }
0xa5: {  	s26 =	simm.s32 $execute0_lowered;
	[smem:$0x3FD2] =	sst s25  }
0xa6: {  	s5 =	sshll.u32 s26, $0x1;
	_ =	strace $0x80000046;
	[dreg:$0x1] =	wrdreg $0xFFFFFFFF  }
0xa7: {  	s28 =	simm.s32 $_size_execute0_lowered;
	s3 =	sadd.s32 s3, s5;
	[dreg:$0x0] =	wrdreg $0x0  }
0xa8: {  	s5 =	sshll.u32 s28, $0x1;
	[dreg:$0x2] =	wrdreg s3  }
0xa9: {  	[dreg:$0x3] =	wrdreg s5  }
0xaa: {  	[dreg:$0x4] =	wrdreg $0xC0  }
0xab: {  	_ =	task [dreg:s7], $0x5FFFF  }
0xac: {  	[dreg:$0x1] =	wrdreg $0xFFFFFFFF  }
0xad: {  	[dreg:$0x0] =	wrdreg $0x60  }
0xae: {  	[dreg:$0x2] =	wrdreg s2  }
0xaf: {  	[dreg:$0x3] =	wrdreg s24  }
0xb0: {  	[dreg:$0x4] =	wrdreg $0xB0000  }
0xb1: {  	[dreg:$0x5] =	wrdreg $0x1F3000  }
0xb2: {  	[dreg:$0x6] =	wrdreg $0x9  }
0xb3: {  	_ =	task.clear_ibuf [dreg:s7], $0x7FFFF;
	_ =	strace $0x90000046  }
0xb4: {  	s29 =	simm.s32 $0x9;
	_ =	strace $0x80000048  }
0xb5: {  	_ =	swait.ge [sflag:s29], $0x1  }
0xb6: {  	[sflag:s29] =	ssyncadd.s32 $0xFFFFFFFF  }
0xb7: {  	_ =	strace $0x90000048  }
0xb8: {  	_ =	sfence  }
0xb9: {  	s30 =	sld [smem:$0x0];
	_ =	sdelay $0x2  }
0xba: {  	s31 =	sshll.u32 s1, $0xD;
	s1 =	sshrl.u32 s1, $0x2  }
0xbb: {  	s3 =	sand.u32 $0x4000, s31;
	s1 =	sadd.s32 s1, s30  }
0xbc: {  	s0 =	sor.u32 s3, s0;
	s1 =	sshll.u32 s1, $0x11  }
0xbd: {  	s0 =	sor.u32 s1, s0  }
0xbe: {  	s0 =	sadd.s32 $0x8F2B, s0  }
0xbf: {  	[sflag:s0] =	ssyncadd.remote.s32 $0x1  }
0xc0: {  	_ =	sfence.sel $0xFFFF  }
0xc1: {  	[dreg:$0x0] =	wrdreg $0xFFFFFFFF;
	(pc) =	sbr.abs _section_cstart, $3  }
0xc2: {  	[dreg:$0x1] =	wrdreg $0xFFFFFFFF  }
0xc3: {  	_ =	task.clear_ibuf [dreg:s7], $0x2FFFF;
	_ =	strace $0x9FFFFFFF  }
0xc4: {  	(tm) =	ssettm $0x7FFFFFFF  }
0xc5: {  	_ =	shalt  }
tec
execute0_lowered:
.L_overlay_start_1:
0x0: {  	(tag) =	ssettag $0x1  }
0x1: {  	s0 =	srdreg.scid;
	s1 =	rddreg [dreg:$0x0]  }
0x2: {  	s6 =	rddreg [dreg:$0x1];
	s10 =	sand.u32 $0x1, s0;
	s0 =	stileid.u32  }
0x3: {  	s3 =	rddreg [dreg:$0x2];
	s8 =	smul.u32 $0x14000, s0  }
0x4: {  	s4 =	rddreg [dreg:$0x3];
	s5 =	simm.s32 $0x0;
	s9 =	smul.u32 $0x140000, s10  }
0x5: {  	s17 =	simm.s32 $0x3800;
	s18 =	simm.s32 $0x80;
	s12 =	smul.u32 $0x500, s0  }
0x6: {  	s19 =	simm.s32 $0x7000;
	[smem:$0x7FF] =	sst s5;
	s23 =	smul.u32 $0xA00, s0  }
0x7: {  	s2 =	sshll.u32 s10, $0x4;
	s21 =	sshll.u32 s10, $0x7;
	s24 =	smul.u32 $0x50000, s0  }
0x8: {  	s25 =	ssub.s32 $0x2, s10;
	p0 =	seq.s32 s10, $0x1;
	s2 =	sor.u32 s0, s2  }
0x9: {  	s31 =	sshll.u32 s0, $0x6;
	s26 =	sshrl.u32 s25, $0x1;
	s7 =	smul.u32 $0x700, s2  }
0xa: {  	s2 =	rddreg [dreg:$0x4];
	_ =	strace $0x80000047;
	s11 =	sshrl.u32 s8, $0x3  }
0xb: {  	s8 =	sadd.s32 s8, s9;
	s22 =	sor.u32 s21, s12;
	s28 =	sshrl.u32 s23, $0x2  }
0xc: {  	s29 =	sshrl.u32 s24, $0x2;
	s30 =	ssub.s32 s25, s26;
	s21 =	simm.s32 $0x1F000  }
0xd: {  	s23 =	simm.s32 $0x20;
	s24 =	simm.s32 $0x10;
	s25 =	simm.s32 $0x0  }
0xe: {  	s20 =	sadd.s32 s11, s6;
	s8 =	sshrl.u32 s8, $0x3;
	s9 =	sshrl.u32 s22, $0x3  }
0xf: {  	s16 =	sadd.s32 s29, s3;
	s12 =	smax.u32 s30, $0x1;
	s13 =	sadd.s32 s7, s6  }
.Ltmp0:
0x10: {  	s14 =	sadd.s32 s8, s6;
	s15 =	sadd.s32 s9, s6;
	(pc) =	sbr.rel .LBB2_1-.Ltmp0, $4  }
0x11: {  	s6 =	sadd.s32 s28, s4;
	s7 =	sadd.s32 $0x1E400, s20;
	s16 =	sshrl.u32 s16, $0x3  }
0x12: {  	s20 =	simm.s32 $0x1;
	s8 =	sadd.s32 $0x10400, s13;
	s9 =	sadd.s32 $0x2400, s13  }
0x13: {  	s10 =	sadd.s32 $0x46E00, s14;
	s11 =	sadd.s32 $0x46400, s15;
	s13 =	simm.s32 $0x1F080  }
0x14: {  	v0 =	vimm.f32 $1.000000000e+00;
	v1 =	vimm.f32 $0.0e+00;
	s14 =	simm.s32 $0x2;
	s15 =	sor.u32 $0x1C02, s31;
	s22 =	sshrl.u32 s6, $0x3  }
.LBB2_7:
0x15: {  	s26 =	sshra.s32 s26, $0x2;
	[sflag:s14] =	ssyncadd.s32 $0xFFFFFF80  }
0x16: {  	[tilespmem:s19], [sflag:$0x1] =	stream.indirect.gather [hbm4b:s1+s18], $0x80, s26, s18, $0xb8;
	[tilespmem:$0x1F580] =	vst v63  }
0x17: {  	_ =	swait.ge [sflag:s20], $0x4000  }
0x18: {  	[sflag:s20] =	ssyncset.done $0x0  }
0x19: {  	s26 =	sadd.s32 $0x3800, s26;
	[sflag:s20] =	ssyncadd.s32 $0xFFFFC000  }
0x1a: {  	[spmem:s3] =	stream.indirect.scatter.add.f32 [tilespmem:s19], [sflag:$0x2], $0x80, s26, s18, $0xb8;
	[tilespmem:$0x1F580] =	vst v63  }
0x1b: {  	_ =	swait.ge [sflag:s14], $0x4000  }
0x1c: {  	[sflag:s14] =	ssyncset.done $0x0  }
0x1d: {  	[sflag:s14] =	ssyncadd.s32 $0xFFFFC000  }
0x1e: {  	[spmem:s4] =	stream.indirect.scatter.add.f32 [tilespmem:s21], [sflag:$0x2], $0x1, s26, s18, $0xb8;
	[tilespmem:$0x1F580] =	vst v63  }
0x1f: {  	_ =	swait.ge [sflag:s14], $0x80  }
0x20: {  	[sflag:s14] =	ssyncset.done $0x0  }
0x21: {  	[sflag:s14] =	ssyncadd.s32 $0xFFFFFF80  }
.LBB2_8:
0x22: {  	[bflag:$0x0] =	sbarrier.arrive $0xFFFF  }
0x23: {  	[hbm:s10], [sflag:s15] =	dma.local [spmem:s16], $0x2800  }
0x24: {  	s25 =	sadd.s32 $0x1, s25;
	_ =	swait.ge [sflag:s14], $0x2800  }
0x25: {  	p1 =	sne.s32 s25, s12;
	[sflag:s14] =	ssyncset.done $0x0  }
.Ltmp1:
0x26: {  	[sflag:s14] =	ssyncadd.s32 $0xFFFFD800;
	(pc) =	sbr.rel @!p1 .LBB2_9-.Ltmp1, $4  }
0x27: {  	[hbm:s11@s23], [sflag:s15] =	dma.strided [spmem:s22@s24], $0x50, s20, $0x10   }
0x28: {  	_ =	swait.ge [sflag:s14], $0x50  }
0x29: {  	[sflag:s14] =	ssyncset.done $0x0  }
0x2a: {  	[sflag:s14] =	ssyncadd.s32 $0xFFFFFFB0  }
.LBB2_1:
0x2b: {  	[tilespmem:$0x1F000] =	vst v0  }
0x2c: {  	[tilespmem:$0x1F010] =	vst v0  }
0x2d: {  	[tilespmem:$0x1F020] =	vst v0  }
0x2e: {  	[tilespmem:$0x1F030] =	vst v0  }
0x2f: {  	[tilespmem:$0x1F040] =	vst v0  }
0x30: {  	[tilespmem:$0x1F050] =	vst v0  }
0x31: {  	[tilespmem:$0x1F060] =	vst v0  }
0x32: {  	[tilespmem:$0x1F070] =	vst v0  }
0x33: {  	[tilespmem:$0x1F080] =	vst v1  }
0x34: {  	[tilespmem:$0x1F090] =	vst v1  }
0x35: {  	[tilespmem:$0x1F0A0] =	vst v1  }
0x36: {  	[tilespmem:$0x1F0B0] =	vst v1  }
0x37: {  	[tilespmem:$0x1F0C0] =	vst v1  }
0x38: {  	[tilespmem:$0x1F0D0] =	vst v1  }
0x39: {  	[tilespmem:$0x1F0E0] =	vst v1  }
0x3a: {  	[tilespmem:$0x1F0F0] =	vst v1  }
0x3b: {  	[tilespmem:$0x1F100] =	vst v1  }
0x3c: {  	[tilespmem:$0x1F110] =	vst v1  }
0x3d: {  	[tilespmem:$0x1F120] =	vst v1  }
0x3e: {  	[tilespmem:$0x1F130] =	vst v1  }
0x3f: {  	[tilespmem:$0x1F140] =	vst v1  }
0x40: {  	[tilespmem:$0x1F150] =	vst v1  }
0x41: {  	[tilespmem:$0x1F160] =	vst v1  }
0x42: {  	[tilespmem:$0x1F170] =	vst v1  }
0x43: {  	[tilespmem:$0x1F180] =	vst v1  }
0x44: {  	[tilespmem:$0x1F190] =	vst v1  }
0x45: {  	[tilespmem:$0x1F1A0] =	vst v1  }
0x46: {  	[tilespmem:$0x1F1B0] =	vst v1  }
0x47: {  	[tilespmem:$0x1F1C0] =	vst v1  }
0x48: {  	[tilespmem:$0x1F1D0] =	vst v1  }
0x49: {  	[tilespmem:$0x1F1E0] =	vst v1  }
0x4a: {  	[tilespmem:$0x1F1F0] =	vst v1  }
0x4b: {  	[tilespmem:$0x1F200] =	vst v1  }
0x4c: {  	[tilespmem:$0x1F210] =	vst v1  }
0x4d: {  	[tilespmem:$0x1F220] =	vst v1  }
0x4e: {  	[tilespmem:$0x1F230] =	vst v1  }
0x4f: {  	[tilespmem:$0x1F240] =	vst v1  }
0x50: {  	[tilespmem:$0x1F250] =	vst v1  }
0x51: {  	[tilespmem:$0x1F260] =	vst v1  }
0x52: {  	[tilespmem:$0x1F270] =	vst v1  }
0x53: {  	[tilespmem:$0x1F280] =	vst v1  }
0x54: {  	[tilespmem:$0x1F290] =	vst v1  }
0x55: {  	[tilespmem:$0x1F2A0] =	vst v1  }
0x56: {  	[tilespmem:$0x1F2B0] =	vst v1  }
0x57: {  	[tilespmem:$0x1F2C0] =	vst v1  }
0x58: {  	[tilespmem:$0x1F2D0] =	vst v1  }
0x59: {  	[tilespmem:$0x1F2E0] =	vst v1  }
0x5a: {  	[tilespmem:$0x1F2F0] =	vst v1  }
0x5b: {  	[spmem:s6] =	stream.linear.scatter [tilespmem:s13], [sflag:$0x2], $0x280, $0x38;
	[tilespmem:$0x1F580] =	vst v63  }
0x5c: {  	_ =	swait.ge [sflag:s14], $0x280  }
0x5d: {  	[sflag:s14] =	ssyncset.done $0x0  }
0x5e: {  	[sflag:s14] =	ssyncadd.s32 $0xFFFFFD80  }
0x5f: {  	[spmem:s16], [sflag:s15] =	dma.local [hbm:s7], $0x2800  }
0x60: {  	_ =	swait.ge [sflag:s14], $0x2800  }
0x61: {  	[sflag:s14] =	ssyncset.done $0x0  }
0x62: {  	[sflag:s14] =	ssyncadd.s32 $0xFFFFD800  }
0x63: {  	[tilespmem:s5], [sflag:$0x2] =	stream.linear.gather [hbm4b:s8+s5], $0x3580, $0x38;
	[tilespmem:$0x1F580] =	vst v63  }
0x64: {  	_ =	swait.ge [sflag:s14], $0x3580  }
0x65: {  	[sflag:s14] =	ssyncset.done $0x0  }
0x66: {  	[sflag:s14] =	ssyncadd.s32 $0xFFFFCA80  }
0x67: {  	[tilespmem:s17], [sflag:$0x2] =	stream.linear.gather [hbm4b:s9+s5], $0x3580, $0x38;
	[tilespmem:$0x1F580] =	vst v63  }
.Ltmp2:
0x68: {  	_ =	swait.ge [sflag:s14], $0x3580;
	(pc) =	sbr.rel @!p0 .LBB2_2-.Ltmp2, $4  }
0x69: {  	[sflag:s14] =	ssyncset.done $0x0  }
0x6a: {  	[sflag:s14] =	ssyncadd.s32 $0xFFFFCA80  }
0x6b: {  	[bflag:$0x0] =	sbarrier.arrive $0xFFFF  }
0x6c: {  	s26 =	simm.s32 $0x0  }
0x6d: {  	[tilespmem:s19], [sflag:$0x1] =	stream.indirect.gather [hbm4b:s1+s18], $0x80, s26, s18, $0xb8;
	[tilespmem:$0x1F580] =	vst v63  }
0x6e: {  	_ =	swait.ge [sflag:s20], $0x4000  }
0x6f: {  	[sflag:s20] =	ssyncset.done $0x0  }
0x70: {  	s31 =	simm.s32 $0x3800;
	[sflag:s20] =	ssyncadd.s32 $0xFFFFC000  }
0x71: {  	[spmem:s3] =	stream.indirect.scatter.add.f32 [tilespmem:s19], [sflag:$0x2], $0x80, s31, s18, $0xb8;
	[tilespmem:$0x1F580] =	vst v63  }
0x72: {  	_ =	swait.ge [sflag:s14], $0x4000  }
0x73: {  	[sflag:s14] =	ssyncset.done $0x0  }
0x74: {  	[sflag:s14] =	ssyncadd.s32 $0xFFFFC000  }
0x75: {  	[spmem:s4] =	stream.indirect.scatter.add.f32 [tilespmem:s21], [sflag:$0x2], $0x1, s31, s18, $0xb8;
	[tilespmem:$0x1F580] =	vst v63  }
0x76: {  	_ =	swait.ge [sflag:s14], $0x80  }
0x77: {  	s26 =	simm.s32 $0x200;
	s28 =	simm.s32 $0x400;
	[sflag:s14] =	ssyncset.done $0x0  }
.LBB2_6:
0x78: {  	s29 =	sshra.s32 s26, $0x2  }
0x79: {  	[sflag:s14] =	ssyncadd.s32 $0xFFFFFF80;
	s26 =	smov.u32 s28;
	s30 =	sadd.s32 $0x200, s28  }
0x7a: {  	[tilespmem:s19], [sflag:$0x1] =	stream.indirect.gather [hbm4b:s1+s18], $0x80, s29, s18, $0xb8;
	[tilespmem:$0x1F580] =	vst v63  }
0x7b: {  	p1 =	sne.s32 s28, $0x6400;
	_ =	swait.ge [sflag:s20], $0x4000  }
0x7c: {  	[sflag:s20] =	ssyncset.done $0x0  }
0x7d: {  	s28 =	sadd.s32 $0x3800, s29;
	[sflag:s20] =	ssyncadd.s32 $0xFFFFC000  }
0x7e: {  	[spmem:s3] =	stream.indirect.scatter.add.f32 [tilespmem:s19], [sflag:$0x2], $0x80, s28, s18, $0xb8;
	[tilespmem:$0x1F580] =	vst v63  }
0x7f: {  	_ =	swait.ge [sflag:s14], $0x4000  }
.Ltmp3:
0x80: {  	[sflag:s14] =	ssyncset.done $0x0;
	(pc) =	sbr.rel @p1 .LBB2_6-.Ltmp3, $4  }
0x81: {  	[sflag:s14] =	ssyncadd.s32 $0xFFFFC000  }
0x82: {  	[spmem:s4] =	stream.indirect.scatter.add.f32 [tilespmem:s21], [sflag:$0x2], $0x1, s28, s18, $0xb8;
	[tilespmem:$0x1F580] =	vst v63  }
0x83: {  	_ =	swait.ge [sflag:s14], $0x80  }
0x84: {  	s28 =	smov.u32 s30;
	[sflag:s14] =	ssyncset.done $0x0  }
.Ltmp4:
0x85: {  	_ = 	snop;
	(pc) =	sbr.rel .LBB2_7-.Ltmp4, $1  }
0x86: {  	_ =	sdelay $0x3  }
.LBB2_2:
0x87: {  	[tilespmem:s19], [sflag:$0x1] =	stream.indirect.gather [hbm4b:s1+s18], $0x80, s26, s18, $0xb8;
	[tilespmem:$0x1F580] =	vst v63  }
0x88: {  	_ =	swait.ge [sflag:s20], $0x4000  }
0x89: {  	[sflag:s20] =	ssyncset.done $0x0  }
0x8a: {  	s31 =	simm.s32 $0x3800;
	[sflag:s20] =	ssyncadd.s32 $0xFFFFC000  }
0x8b: {  	[spmem:s3] =	stream.indirect.scatter.add.f32 [tilespmem:s19], [sflag:$0x2], $0x80, s31, s18, $0xb8;
	[tilespmem:$0x1F580] =	vst v63  }
0x8c: {  	_ =	swait.ge [sflag:s14], $0x4000  }
0x8d: {  	[sflag:s14] =	ssyncset.done $0x0  }
0x8e: {  	[sflag:s14] =	ssyncadd.s32 $0xFFFFC000  }
0x8f: {  	[spmem:s4] =	stream.indirect.scatter.add.f32 [tilespmem:s21], [sflag:$0x2], $0x1, s31, s18, $0xb8;
	[tilespmem:$0x1F580] =	vst v63  }
0x90: {  	_ =	swait.ge [sflag:s14], $0x80  }
0x91: {  	s26 =	simm.s32 $0x200;
	s28 =	simm.s32 $0x400;
	[sflag:s14] =	ssyncset.done $0x0  }
.LBB2_3:
0x92: {  	s29 =	sshra.s32 s26, $0x2  }
0x93: {  	[sflag:s14] =	ssyncadd.s32 $0xFFFFFF80;
	s26 =	smov.u32 s28;
	s30 =	sadd.s32 $0x200, s28  }
0x94: {  	[tilespmem:s19], [sflag:$0x1] =	stream.indirect.gather [hbm4b:s1+s18], $0x80, s29, s18, $0xb8;
	[tilespmem:$0x1F580] =	vst v63  }
0x95: {  	p1 =	seq.s32 s28, $0xD400;
	_ =	swait.ge [sflag:s20], $0x4000  }
0x96: {  	[sflag:s20] =	ssyncset.done $0x0  }
0x97: {  	s28 =	sadd.s32 $0x3800, s29;
	[sflag:s20] =	ssyncadd.s32 $0xFFFFC000  }
0x98: {  	[spmem:s3] =	stream.indirect.scatter.add.f32 [tilespmem:s19], [sflag:$0x2], $0x80, s28, s18, $0xb8;
	[tilespmem:$0x1F580] =	vst v63  }
0x99: {  	_ =	swait.ge [sflag:s14], $0x4000  }
.Ltmp5:
0x9a: {  	[sflag:s14] =	ssyncset.done $0x0;
	(pc) =	sbr.rel @!p1 .LBB2_3-.Ltmp5, $4  }
0x9b: {  	[sflag:s14] =	ssyncadd.s32 $0xFFFFC000  }
0x9c: {  	[spmem:s4] =	stream.indirect.scatter.add.f32 [tilespmem:s21], [sflag:$0x2], $0x1, s28, s18, $0xb8;
	[tilespmem:$0x1F580] =	vst v63  }
0x9d: {  	_ =	swait.ge [sflag:s14], $0x80  }
0x9e: {  	s28 =	smov.u32 s30;
	[sflag:s14] =	ssyncset.done $0x0  }
0x9f: {  	s26 =	sshra.s32 s26, $0x2;
	[sflag:s14] =	ssyncadd.s32 $0xFFFFFF80  }
0xa0: {  	[tilespmem:s19], [sflag:$0x1] =	stream.indirect.gather [hbm4b:s1+s18], $0x80, s26, s18, $0xb8;
	[tilespmem:$0x1F580] =	vst v63  }
0xa1: {  	_ =	swait.ge [sflag:s20], $0x4000  }
0xa2: {  	[sflag:s20] =	ssyncset.done $0x0  }
0xa3: {  	s26 =	sadd.s32 $0x3800, s26;
	[sflag:s20] =	ssyncadd.s32 $0xFFFFC000  }
0xa4: {  	[spmem:s3] =	stream.indirect.scatter.add.f32 [tilespmem:s19], [sflag:$0x2], $0x80, s26, s18, $0xb8;
	[tilespmem:$0x1F580] =	vst v63  }
0xa5: {  	_ =	swait.ge [sflag:s14], $0x4000  }
0xa6: {  	[sflag:s14] =	ssyncset.done $0x0  }
.Ltmp6:
0xa7: {  	[sflag:s14] =	ssyncadd.s32 $0xFFFFC000;
	(pc) =	sbr.rel .LBB2_8-.Ltmp6, $4  }
0xa8: {  	[spmem:s4] =	stream.indirect.scatter.add.f32 [tilespmem:s21], [sflag:$0x2], $0x1, s26, s18, $0xb8;
	[tilespmem:$0x1F580] =	vst v63  }
0xa9: {  	_ =	swait.ge [sflag:s14], $0x80  }
0xaa: {  	[sflag:s14] =	ssyncset.done $0x0  }
0xab: {  	[sflag:s14] =	ssyncadd.s32 $0xFFFFFF80  }
.LBB2_9:
0xac: {  	_ =	sfence.sel $0x180000  }
0xad: {  	[bflag:$0x0] =	sbarrier.arrive $0xFFFF  }
0xae: {  	p0 =	sne.s32 s0, $0x0;
	_ =	strace $0x90000047  }
0xaf: {  	s0 =	sadd.s32 @!p0 $0x100000, s2;
	[bflag:$0x2] =	sbarrier.arrive $0xFFFF  }
0xb0: {  	[sflag:s0] =	ssyncadd.tile.s32 @!p0 $0x1;
	_ =	shalt  }
.Lfunc_end2:
_tile_overlayer_lowered:
.L_overlay_start_2:
0xb1: {  	(tag) =	ssettag $0x2  }
0xb2: {  	s0 =	rddreg [dreg:$0x0];
	s2 =	stileid.u32  }
0xb3: {  	s1 =	rddreg [dreg:$0x1];
	p0 =	sne.s32 s2, $0x0  }
0xb4: {  	s3 =	rddreg [dreg:$0x2];
	[bflag:$0x3] =	sbarrier.arrive $0xFFFF;
	s2 =	simm.s32 @!p0 $0x1C02  }
0xb5: {  	[timem:s3], [sflag:s2] =	dma.local @!p0 [hbm:s0], s1  }
0xb6: {  	s0 =	simm.s32 @!p0 $0x2  }
0xb7: {  	_ =	swait.ge @!p0 [sflag:s0], s1  }
0xb8: {  	s1 =	ssub.s32 @!p0 $0x0, s1;
	[sflag:s0] =	ssyncset.done @!p0 $0x0  }
0xb9: {  	[sflag:s0] =	ssyncadd.s32 @!p0 s1  }
0xba: {  	[bflag:$0x3] =	sbarrier.arrive $0xFFFF  }
0xbb: {  	_ =	shalt  }

</sc_bundles>
